<compile_context>
chip_gen: v7x
topology: tpu7x:2x2x1
jax: 0.10.2.dev20260603
libtpu: 0.0.44.dev20260713+nightly
codegen_flags: <defaults>
</compile_context>

<pallas_src>
import functools
import math

import jax
import jax.numpy as jnp
from jax.experimental import pallas as pl
from jax.experimental.pallas import tpu as pltpu

B = 4096
C = 4096
K = math.ceil(B * C * 0.2)
BLK_R = 128
NB = B // BLK_R
NPASS = 8
NPIV = 15
INF_BITS = 0x7F800000


def _bce(x, y):
    return jnp.maximum(x, 0.0) - x * y + jnp.log1p(jnp.exp(-jnp.abs(x)))



def _bits_kernel(x_ref, y_ref, m_ref, bits_ref):
    loss = _bce(x_ref[...], y_ref[...])
    b = pltpu.bitcast(loss, jnp.int32)
    bits_ref[...] = jnp.where(m_ref[...] == 0, b, jnp.int32(-1))



def _search_kernel(bits_ref, thr_ref, state):
    s = pl.program_id(0)
    b = pl.program_id(1)

    @pl.when(jnp.logical_and(s == 0, b == 0))
    def _init():
        state[0] = jnp.int32(0)
        state[1] = jnp.int32(INF_BITS)
        for j in range(NPIV):
            state[2 + j] = jnp.int32(0)

    @pl.when(jnp.logical_and(s > 0, b == 0))
    def _update():
        lo = state[0]
        hi = state[1]
        step = jnp.maximum((hi - lo) // (NPIV + 1), 1)
        new_lo = lo
        new_hi = hi
        for j in range(NPIV):
            pj = lo + step * (j + 1)
            cj = state[2 + j]
            ok = jnp.logical_and(pj < hi, cj >= K)
            new_lo = jnp.where(ok, jnp.maximum(new_lo, pj), new_lo)
            bad = jnp.logical_and(pj < hi, cj < K)
            new_hi = jnp.where(bad, jnp.minimum(new_hi, pj), new_hi)
            state[2 + j] = jnp.int32(0)
        state[0] = new_lo
        state[1] = new_hi

    lo = state[0]
    hi = state[1]
    step = jnp.maximum((hi - lo) // (NPIV + 1), 1)
    bits = bits_ref[...]
    for j in range(NPIV):
        pj = lo + step * (j + 1)
        state[2 + j] += jnp.sum((bits >= pj).astype(jnp.int32))

    @pl.when(jnp.logical_and(s == NPASS - 1, b == NB - 1))
    def _finish():
        flo = state[0]
        fhi = state[1]
        fstep = jnp.maximum((fhi - flo) // (NPIV + 1), 1)
        res = flo
        for j in range(NPIV):
            pj = flo + fstep * (j + 1)
            ok = jnp.logical_and(pj < fhi, state[2 + j] >= K)
            res = jnp.where(ok, jnp.maximum(res, pj), res)
        thr_ref[0, 0] = res



def _apply_kernel(x_ref, y_ref, m_ref, bits_ref, thr_ref, out_ref, cnt_ref,
                  off_ref, carry):
    b = pl.program_id(0)

    @pl.when(b == 0)
    def _init():
        carry[0] = jnp.int32(0)

    x = x_ref[...]
    y = y_ref[...]
    orig = _bce(x, y)
    corr = _bce(x, 1.0 - y)
    cond = bits_ref[...] >= thr_ref[0, 0]
    out_ref[...] = jnp.where(cond, corr, orig)

    cnt = jnp.sum(cond.astype(jnp.int32), axis=1)
    r = jax.lax.broadcasted_iota(jnp.int32, (BLK_R, BLK_R), 0)
    c = jax.lax.broadcasted_iota(jnp.int32, (BLK_R, BLK_R), 1)
    tril = (c < r).astype(jnp.float32)
    excl = jax.lax.dot(tril, cnt.astype(jnp.float32).reshape(BLK_R, 1),
                       preferred_element_type=jnp.float32)
    off = excl.reshape(BLK_R).astype(jnp.int32) + carry[0]
    cnt_ref[...] = cnt.reshape(1, 1, BLK_R)
    off_ref[...] = off.reshape(1, 1, BLK_R)
    carry[0] += jnp.sum(cnt)


def _build_dense(x, y, mask):
    bits = pl.pallas_call(
        _bits_kernel,
        grid=(NB,),
        in_specs=[
            pl.BlockSpec((BLK_R, C), lambda b: (b, 0)),
            pl.BlockSpec((BLK_R, C), lambda b: (b, 0)),
            pl.BlockSpec((BLK_R, C), lambda b: (b, 0)),
        ],
        out_specs=pl.BlockSpec((BLK_R, C), lambda b: (b, 0)),
        out_shape=jax.ShapeDtypeStruct((B, C), jnp.int32),
    )(x, y, mask)

    thr = pl.pallas_call(
        _search_kernel,
        grid=(NPASS, NB),
        in_specs=[pl.BlockSpec((BLK_R, C), lambda s, b: (b, 0))],
        out_specs=pl.BlockSpec(memory_space=pltpu.SMEM),
        out_shape=jax.ShapeDtypeStruct((1, 1), jnp.int32),
        scratch_shapes=[pltpu.SMEM((2 + NPIV,), jnp.int32)],
    )(bits)

    out_loss, cnt3, off3 = pl.pallas_call(
        _apply_kernel,
        grid=(NB,),
        in_specs=[
            pl.BlockSpec((BLK_R, C), lambda b: (b, 0)),
            pl.BlockSpec((BLK_R, C), lambda b: (b, 0)),
            pl.BlockSpec((BLK_R, C), lambda b: (b, 0)),
            pl.BlockSpec((BLK_R, C), lambda b: (b, 0)),
            pl.BlockSpec(memory_space=pltpu.SMEM),
        ],
        out_specs=[
            pl.BlockSpec((BLK_R, C), lambda b: (b, 0)),
            pl.BlockSpec((1, 1, BLK_R), lambda b: (b, 0, 0)),
            pl.BlockSpec((1, 1, BLK_R), lambda b: (b, 0, 0)),
        ],
        out_shape=[
            jax.ShapeDtypeStruct((B, C), jnp.float32),
            jax.ShapeDtypeStruct((NB, 1, BLK_R), jnp.int32),
            jax.ShapeDtypeStruct((NB, 1, BLK_R), jnp.int32),
        ],
        scratch_shapes=[pltpu.SMEM((1,), jnp.int32)],
    )(x, y, mask, bits, thr)

    return bits, thr, out_loss, cnt3, off3


@jax.jit
def kernel(x, y, mask):
    bits, thr, out_loss, cnt3, off3 = _build_dense(x, y, mask)
    cond = bits >= thr[0, 0]
    idx0, idx1 = jnp.nonzero(cond, size=K, fill_value=0)
    return out_loss, idx0.astype(jnp.int32), idx1.astype(jnp.int32)

# --- scband reference (transcript-rebuilt; emitter-appended) ---
"""Pipeline reference for scband-ignore-large-loss-3006477107794 (READ-ONLY COPY).

The authoritative reference and input builder live on the scoring server;
editing this copy changes nothing except your own understanding.
"""

import jax, jax.numpy as jnp
import numpy as np
import math

B, C = 4096, 4096
DELTA = 0.2

def _bce_with_logits(x, y):
    # numerically-stable binary_cross_entropy_with_logits, reduction='none'
    return jnp.maximum(x, 0.0) - x * y + jnp.log1p(jnp.exp(-jnp.abs(x)))

def setup_inputs(seed: int = 0) -> dict:
    key = jax.random.key(seed)
    k1, k2, k3 = jax.random.split(key, 3)
    x = jax.random.normal(k1, (B, C), dtype=jnp.float32)
    y = jax.random.randint(k2, (B, C), 0, 2).astype(jnp.float32)
    mask = jax.random.randint(k3, (B, C), 0, 2).astype(jnp.int32)
    return {"x": x, "y": y, "mask": mask}

def reference(x, y, mask):
    # mode == 'perm_correction', delta = 0.2, epoch irrelevant (frac = delta)
    orig_loss = _bce_with_logits(x, y)
    frac = DELTA
    k = math.ceil(x.shape[0] * x.shape[1] * frac)  # static python int
    mask0 = (mask == 0)
    loss_unobs = mask0.astype(orig_loss.dtype) * orig_loss
    out_loss = orig_loss
    # k > 0 statically here
    topk_vals, _ = jax.lax.top_k(loss_unobs.reshape(-1), k)
    topk_loss_value = topk_vals[-1]
    # elif branch: 'temp_correction' or 'perm_correction' is always truthy -> corrected path
    not_y = jnp.logical_not(y.astype(bool)).astype(jnp.float32)
    corrected_loss = _bce_with_logits(x, not_y)
    # out_loss[mask==0] = where(loss_unobs < topk, orig, corrected)[mask==0]
    out_loss = jnp.where(jnp.logical_and(mask0, loss_unobs >= topk_loss_value),
                         corrected_loss, orig_loss)
    # perm_correction also returns indices of corrected entries (data-dependent size; eager only)
    idx = jnp.nonzero(jnp.logical_and(loss_unobs >= topk_loss_value, mask0), size=k)
    return (out_loss, idx[0], idx[1])

if __name__ == "__main__":
    import jax
    _d = setup_inputs()
    print(jax.jit(kernel)(*tuple(_d.values())))

</pallas_src>

<mosaic_0001>
module attributes {stable_mosaic.version = 14 : i64} {
  func.func @_bits_kernel(%arg0: i32, %arg1: memref<128x4096xf32, #tpu.memory_space<vmem>>, %arg2: memref<128x4096xf32, #tpu.memory_space<vmem>>, %arg3: memref<128x4096xi32, #tpu.memory_space<vmem>>, %arg4: memref<128x4096xi32, #tpu.memory_space<vmem>>) attributes {dimension_semantics = [#tpu.dimension_semantics<arbitrary>], iteration_bounds = array<i64: 32>, scalar_prefetch = 0 : i64, scratch_operands = 0 : i64, tpu.core_type = #tpu.core_type<tc>, window_params = [{transform_indices = @transform_0, window_bounds = array<i64: 128, 4096>}, {transform_indices = @transform_1, window_bounds = array<i64: 128, 4096>}, {transform_indices = @transform_2, window_bounds = array<i64: 128, 4096>}, {transform_indices = @transform_3, window_bounds = array<i64: 128, 4096>}]} {
    %get3A = arith.constant 0 : index
    %get3A_0 = arith.constant 0 : index
    %get3A_1 = vector.load %arg1[%get3A, %get3A_0] : memref<128x4096xf32, #tpu.memory_space<vmem>>, vector<128x4096xf32>
    %get3A_2 = arith.constant 0 : index
    %get3A_3 = arith.constant 0 : index
    %get3A_4 = vector.load %arg2[%get3A_2, %get3A_3] : memref<128x4096xf32, #tpu.memory_space<vmem>>, vector<128x4096xf32>
    %max3A = arith.constant 0.000000e+00 : f32
    %max3A_5 = vector.broadcast %max3A : f32 to vector<128x4096xf32>
    %max3A_6 = arith.maximumf %get3A_1, %max3A_5 : vector<128x4096xf32>
    %mul3A = arith.mulf %get3A_1, %get3A_4 : vector<128x4096xf32>
    %sub3A = arith.subf %max3A_6, %mul3A : vector<128x4096xf32>
    %abs3A = math.absf %get3A_1 : vector<128x4096xf32>
    %neg3A = arith.constant 0.000000e+00 : f32
    %neg3A_7 = vector.broadcast %neg3A : f32 to vector<128x4096xf32>
    %neg3A_8 = arith.subf %neg3A_7, %abs3A : vector<128x4096xf32>
    %exp3A = math.exp %neg3A_8 : vector<128x4096xf32>
    %log1p3A = math.log1p %exp3A : vector<128x4096xf32>
    %add3A = arith.addf %sub3A, %log1p3A : vector<128x4096xf32>
    %bitcast3A = tpu.bitcast %add3A : vector<128x4096xf32> -> vector<128x4096xi32>
    %get3A_9 = arith.constant 0 : index
    %get3A_10 = arith.constant 0 : index
    %get3A_11 = vector.load %arg3[%get3A_9, %get3A_10] : memref<128x4096xi32, #tpu.memory_space<vmem>>, vector<128x4096xi32>
    %eq3A = arith.constant 0 : i32
    %eq3A_12 = vector.broadcast %eq3A : i32 to vector<128x4096xi32>
    %eq3A_13 = arith.cmpi eq, %get3A_11, %eq3A_12 : vector<128x4096xi32>
    %jit3A = arith.constant -1 : i32
    %broadcast_in_dim3A = vector.broadcast %jit3A : i32 to vector<128x4096xi32>
    %select_n3A = arith.select %eq3A_13, %bitcast3A, %broadcast_in_dim3A : vector<128x4096xi1>, vector<128x4096xi32>
    %swap3A = arith.constant 0 : index
    %swap3A_14 = arith.constant 0 : index
    %swap3A_15 = vector.load %arg4[%swap3A, %swap3A_14] : memref<128x4096xi32, #tpu.memory_space<vmem>>, vector<128x4096xi32>
    tpu.vector_store %arg4[%swap3A, %swap3A_14], %select_n3A {strides = array<i32>} : memref<128x4096xi32, #tpu.memory_space<vmem>>, vector<128x4096xi32>,
    return
  }
  func.func @transform_0(%arg0: i32) -> (i32, i32) {
    %c0_i32 = arith.constant 0 : i32
    %c0_i32_0 = arith.constant 0 : i32
    return %arg0, %c0_i32 : i32, i32
  }
  func.func @transform_1(%arg0: i32) -> (i32, i32) {
    %c0_i32 = arith.constant 0 : i32
    %c0_i32_0 = arith.constant 0 : i32
    return %arg0, %c0_i32 : i32, i32
  }
  func.func @transform_2(%arg0: i32) -> (i32, i32) {
    %c0_i32 = arith.constant 0 : i32
    %c0_i32_0 = arith.constant 0 : i32
    return %arg0, %c0_i32 : i32, i32
  }
  func.func @transform_3(%arg0: i32) -> (i32, i32) {
    %c0_i32 = arith.constant 0 : i32
    %c0_i32_0 = arith.constant 0 : i32
    return %arg0, %c0_i32 : i32, i32
  }
}

module attributes {stable_mosaic.version = 14 : i64} {
  func.func @_search_kernel(%arg0: i32, %arg1: i32, %arg2: memref<128x4096xi32, #tpu.memory_space<vmem>>, %arg3: memref<1x1xi32, #tpu.memory_space<smem>>, %arg4: memref<17xi32, #tpu.memory_space<smem>>) attributes {dimension_semantics = [#tpu.dimension_semantics<arbitrary>, #tpu.dimension_semantics<arbitrary>], iteration_bounds = array<i64: 8, 32>, scalar_prefetch = 0 : i64, scratch_operands = 1 : i64, tpu.core_type = #tpu.core_type<tc>, window_params = [{transform_indices = @transform_0, window_bounds = array<i64: 128, 4096>}, {transform_indices = @transform_1, window_bounds = array<i64: 1, 1>}]} {
    %eq3A = arith.constant 0 : i32
    %eq3A_0 = arith.cmpi eq, %arg0, %eq3A : i32
    %eq3A_1 = arith.constant 0 : i32
    %eq3A_2 = arith.cmpi eq, %arg1, %eq3A_1 : i32
    %and3A = arith.andi %eq3A_0, %eq3A_2 : i1
    %convert_element_type3A = arith.extui %and3A : i1 to i32
    %cond3A = arith.constant 0 : i32
    %cond3A_3 = arith.cmpi ne, %convert_element_type3A, %cond3A : i32
    scf.if %cond3A_3 {
      %swap3A_279 = arith.constant 0 : i32
      %swap3A_280 = arith.constant 0 : index
      %swap3A_281 = memref.load %arg4[%swap3A_280] : memref<17xi32, #tpu.memory_space<smem>>
      memref.store %swap3A_279, %arg4[%swap3A_280] : memref<17xi32, #tpu.memory_space<smem>>
      %swap3A_282 = arith.constant 2139095040 : i32
      %swap3A_283 = arith.constant 1 : index
      %swap3A_284 = memref.load %arg4[%swap3A_283] : memref<17xi32, #tpu.memory_space<smem>>
      memref.store %swap3A_282, %arg4[%swap3A_283] : memref<17xi32, #tpu.memory_space<smem>>
      %swap3A_285 = arith.constant 0 : i32
      %swap3A_286 = arith.constant 2 : index
      %swap3A_287 = memref.load %arg4[%swap3A_286] : memref<17xi32, #tpu.memory_space<smem>>
      memref.store %swap3A_285, %arg4[%swap3A_286] : memref<17xi32, #tpu.memory_space<smem>>
      %swap3A_288 = arith.constant 0 : i32
      %swap3A_289 = arith.constant 3 : index
      %swap3A_290 = memref.load %arg4[%swap3A_289] : memref<17xi32, #tpu.memory_space<smem>>
      memref.store %swap3A_288, %arg4[%swap3A_289] : memref<17xi32, #tpu.memory_space<smem>>
      %swap3A_291 = arith.constant 0 : i32
      %swap3A_292 = arith.constant 4 : index
      %swap3A_293 = memref.load %arg4[%swap3A_292] : memref<17xi32, #tpu.memory_space<smem>>
      memref.store %swap3A_291, %arg4[%swap3A_292] : memref<17xi32, #tpu.memory_space<smem>>
      %swap3A_294 = arith.constant 0 : i32
      %swap3A_295 = arith.constant 5 : index
      %swap3A_296 = memref.load %arg4[%swap3A_295] : memref<17xi32, #tpu.memory_space<smem>>
      memref.store %swap3A_294, %arg4[%swap3A_295] : memref<17xi32, #tpu.memory_space<smem>>
      %swap3A_297 = arith.constant 0 : i32
      %swap3A_298 = arith.constant 6 : index
      %swap3A_299 = memref.load %arg4[%swap3A_298] : memref<17xi32, #tpu.memory_space<smem>>
      memref.store %swap3A_297, %arg4[%swap3A_298] : memref<17xi32, #tpu.memory_space<smem>>
      %swap3A_300 = arith.constant 0 : i32
      %swap3A_301 = arith.constant 7 : index
      %swap3A_302 = memref.load %arg4[%swap3A_301] : memref<17xi32, #tpu.memory_space<smem>>
      memref.store %swap3A_300, %arg4[%swap3A_301] : memref<17xi32, #tpu.memory_space<smem>>
      %swap3A_303 = arith.constant 0 : i32
      %swap3A_304 = arith.constant 8 : index
      %swap3A_305 = memref.load %arg4[%swap3A_304] : memref<17xi32, #tpu.memory_space<smem>>
      memref.store %swap3A_303, %arg4[%swap3A_304] : memref<17xi32, #tpu.memory_space<smem>>
      %swap3A_306 = arith.constant 0 : i32
      %swap3A_307 = arith.constant 9 : index
      %swap3A_308 = memref.load %arg4[%swap3A_307] : memref<17xi32, #tpu.memory_space<smem>>
      memref.store %swap3A_306, %arg4[%swap3A_307] : memref<17xi32, #tpu.memory_space<smem>>
      %swap3A_309 = arith.constant 0 : i32
      %swap3A_310 = arith.constant 10 : index
      %swap3A_311 = memref.load %arg4[%swap3A_310] : memref<17xi32, #tpu.memory_space<smem>>
      memref.store %swap3A_309, %arg4[%swap3A_310] : memref<17xi32, #tpu.memory_space<smem>>
      %swap3A_312 = arith.constant 0 : i32
      %swap3A_313 = arith.constant 11 : index
      %swap3A_314 = memref.load %arg4[%swap3A_313] : memref<17xi32, #tpu.memory_space<smem>>
      memref.store %swap3A_312, %arg4[%swap3A_313] : memref<17xi32, #tpu.memory_space<smem>>
      %swap3A_315 = arith.constant 0 : i32
      %swap3A_316 = arith.constant 12 : index
      %swap3A_317 = memref.load %arg4[%swap3A_316] : memref<17xi32, #tpu.memory_space<smem>>
      memref.store %swap3A_315, %arg4[%swap3A_316] : memref<17xi32, #tpu.memory_space<smem>>
      %swap3A_318 = arith.constant 0 : i32
      %swap3A_319 = arith.constant 13 : index
      %swap3A_320 = memref.load %arg4[%swap3A_319] : memref<17xi32, #tpu.memory_space<smem>>
      memref.store %swap3A_318, %arg4[%swap3A_319] : memref<17xi32, #tpu.memory_space<smem>>
      %swap3A_321 = arith.constant 0 : i32
      %swap3A_322 = arith.constant 14 : index
      %swap3A_323 = memref.load %arg4[%swap3A_322] : memref<17xi32, #tpu.memory_space<smem>>
      memref.store %swap3A_321, %arg4[%swap3A_322] : memref<17xi32, #tpu.memory_space<smem>>
      %swap3A_324 = arith.constant 0 : i32
      %swap3A_325 = arith.constant 15 : index
      %swap3A_326 = memref.load %arg4[%swap3A_325] : memref<17xi32, #tpu.memory_space<smem>>
      memref.store %swap3A_324, %arg4[%swap3A_325] : memref<17xi32, #tpu.memory_space<smem>>
      %swap3A_327 = arith.constant 0 : i32
      %swap3A_328 = arith.constant 16 : index
      %swap3A_329 = memref.load %arg4[%swap3A_328] : memref<17xi32, #tpu.memory_space<smem>>
      memref.store %swap3A_327, %arg4[%swap3A_328] : memref<17xi32, #tpu.memory_space<smem>>
    } else {
    }
    %gt3A = arith.constant 0 : i32
    %gt3A_4 = arith.cmpi sgt, %arg0, %gt3A : i32
    %eq3A_5 = arith.constant 0 : i32
    %eq3A_6 = arith.cmpi eq, %arg1, %eq3A_5 : i32
    %and3A_7 = arith.andi %gt3A_4, %eq3A_6 : i1
    %convert_element_type3A_8 = arith.extui %and3A_7 : i1 to i32
    %cond3A_9 = arith.constant 0 : i32
    %cond3A_10 = arith.cmpi ne, %convert_element_type3A_8, %cond3A_9 : i32
    scf.if %cond3A_10 {
      %get3A_279 = arith.constant 0 : index
      %get3A_280 = memref.load %arg4[%get3A_279] : memref<17xi32, #tpu.memory_space<smem>>
      %get3A_281 = arith.constant 1 : index
      %get3A_282 = memref.load %arg4[%get3A_281] : memref<17xi32, #tpu.memory_space<smem>>
      %sub3A_283 = arith.subi %get3A_282, %get3A_280 : i32
      %jit3A_284 = arith.constant 16 : i32
      %div3A_285 = arith.divsi %sub3A_283, %jit3A_284 : i32
      %sign3A_286 = arith.constant 0 : i32
      %sign3A_287 = arith.cmpi sgt, %sub3A_283, %sign3A_286 : i32
      %sign3A_288 = arith.extui %sign3A_287 : i1 to i32
      %sign3A_289 = arith.constant 0 : i32
      %sign3A_290 = arith.cmpi slt, %sub3A_283, %sign3A_289 : i32
      %sign3A_291 = arith.extui %sign3A_290 : i1 to i32
      %sign3A_292 = arith.subi %sign3A_288, %sign3A_291 : i32
      %sign3A_293 = arith.constant 0 : i32
      %sign3A_294 = arith.cmpi sgt, %jit3A_284, %sign3A_293 : i32
      %sign3A_295 = arith.extui %sign3A_294 : i1 to i32
      %sign3A_296 = arith.constant 0 : i32
      %sign3A_297 = arith.cmpi slt, %jit3A_284, %sign3A_296 : i32
      %sign3A_298 = arith.extui %sign3A_297 : i1 to i32
      %sign3A_299 = arith.subi %sign3A_295, %sign3A_298 : i32
      %ne3A_300 = arith.cmpi ne, %sign3A_292, %sign3A_299 : i32
      %rem3A_301 = arith.remsi %sub3A_283, %jit3A_284 : i32
      %ne3A_302 = arith.constant 0 : i32
      %ne3A_303 = arith.cmpi ne, %rem3A_301, %ne3A_302 : i32
      %and3A_304 = arith.andi %ne3A_300, %ne3A_303 : i1
      %sub3A_305 = arith.constant 1 : i32
      %sub3A_306 = arith.subi %div3A_285, %sub3A_305 : i32
      %select_n3A_307 = arith.select %and3A_304, %sub3A_306, %div3A_285 : i32
      %max3A_308 = arith.constant 1 : i32
      %max3A_309 = arith.maxsi %select_n3A_307, %max3A_308 : i32
      %mul3A_310 = arith.constant 1 : i32
      %mul3A_311 = arith.muli %max3A_309, %mul3A_310 : i32
      %add3A_312 = arith.addi %get3A_280, %mul3A_311 : i32
      %get3A_313 = arith.constant 2 : index
      %get3A_314 = memref.load %arg4[%get3A_313] : memref<17xi32, #tpu.memory_space<smem>>
      %lt3A = arith.cmpi slt, %add3A_312, %get3A_282 : i32
      %ge3A_315 = arith.constant 3355444 : i32
      %ge3A_316 = arith.cmpi sge, %get3A_314, %ge3A_315 : i32
      %and3A_317 = arith.andi %lt3A, %ge3A_316 : i1
      %max3A_318 = arith.maxsi %get3A_280, %add3A_312 : i32
      %select_n3A_319 = arith.select %and3A_317, %max3A_318, %get3A_280 : i32
      %lt3A_320 = arith.cmpi slt, %add3A_312, %get3A_282 : i32
      %lt3A_321 = arith.constant 3355444 : i32
      %lt3A_322 = arith.cmpi slt, %get3A_314, %lt3A_321 : i32
      %and3A_323 = arith.andi %lt3A_320, %lt3A_322 : i1
      %min3A = arith.minsi %get3A_282, %add3A_312 : i32
      %select_n3A_324 = arith.select %and3A_323, %min3A, %get3A_282 : i32
      %swap3A_325 = arith.constant 0 : i32
      %swap3A_326 = arith.constant 2 : index
      %swap3A_327 = memref.load %arg4[%swap3A_326] : memref<17xi32, #tpu.memory_space<smem>>
      memref.store %swap3A_325, %arg4[%swap3A_326] : memref<17xi32, #tpu.memory_space<smem>>
      %mul3A_328 = arith.constant 2 : i32
      %mul3A_329 = arith.muli %max3A_309, %mul3A_328 : i32
      %add3A_330 = arith.addi %get3A_280, %mul3A_329 : i32
      %get3A_331 = arith.constant 3 : index
      %get3A_332 = memref.load %arg4[%get3A_331] : memref<17xi32, #tpu.memory_space<smem>>
      %lt3A_333 = arith.cmpi slt, %add3A_330, %get3A_282 : i32
      %ge3A_334 = arith.constant 3355444 : i32
      %ge3A_335 = arith.cmpi sge, %get3A_332, %ge3A_334 : i32
      %and3A_336 = arith.andi %lt3A_333, %ge3A_335 : i1
      %max3A_337 = arith.maxsi %select_n3A_319, %add3A_330 : i32
      %select_n3A_338 = arith.select %and3A_336, %max3A_337, %select_n3A_319 : i32
      %lt3A_339 = arith.cmpi slt, %add3A_330, %get3A_282 : i32
      %lt3A_340 = arith.constant 3355444 : i32
      %lt3A_341 = arith.cmpi slt, %get3A_332, %lt3A_340 : i32
      %and3A_342 = arith.andi %lt3A_339, %lt3A_341 : i1
      %min3A_343 = arith.minsi %select_n3A_324, %add3A_330 : i32
      %select_n3A_344 = arith.select %and3A_342, %min3A_343, %select_n3A_324 : i32
      %swap3A_345 = arith.constant 0 : i32
      %swap3A_346 = arith.constant 3 : index
      %swap3A_347 = memref.load %arg4[%swap3A_346] : memref<17xi32, #tpu.memory_space<smem>>
      memref.store %swap3A_345, %arg4[%swap3A_346] : memref<17xi32, #tpu.memory_space<smem>>
      %mul3A_348 = arith.constant 3 : i32
      %mul3A_349 = arith.muli %max3A_309, %mul3A_348 : i32
      %add3A_350 = arith.addi %get3A_280, %mul3A_349 : i32
      %get3A_351 = arith.constant 4 : index
      %get3A_352 = memref.load %arg4[%get3A_351] : memref<17xi32, #tpu.memory_space<smem>>
      %lt3A_353 = arith.cmpi slt, %add3A_350, %get3A_282 : i32
      %ge3A_354 = arith.constant 3355444 : i32
      %ge3A_355 = arith.cmpi sge, %get3A_352, %ge3A_354 : i32
      %and3A_356 = arith.andi %lt3A_353, %ge3A_355 : i1
      %max3A_357 = arith.maxsi %select_n3A_338, %add3A_350 : i32
      %select_n3A_358 = arith.select %and3A_356, %max3A_357, %select_n3A_338 : i32
      %lt3A_359 = arith.cmpi slt, %add3A_350, %get3A_282 : i32
      %lt3A_360 = arith.constant 3355444 : i32
      %lt3A_361 = arith.cmpi slt, %get3A_352, %lt3A_360 : i32
      %and3A_362 = arith.andi %lt3A_359, %lt3A_361 : i1
      %min3A_363 = arith.minsi %select_n3A_344, %add3A_350 : i32
      %select_n3A_364 = arith.select %and3A_362, %min3A_363, %select_n3A_344 : i32
      %swap3A_365 = arith.constant 0 : i32
      %swap3A_366 = arith.constant 4 : index
      %swap3A_367 = memref.load %arg4[%swap3A_366] : memref<17xi32, #tpu.memory_space<smem>>
      memref.store %swap3A_365, %arg4[%swap3A_366] : memref<17xi32, #tpu.memory_space<smem>>
      %mul3A_368 = arith.constant 4 : i32
      %mul3A_369 = arith.muli %max3A_309, %mul3A_368 : i32
      %add3A_370 = arith.addi %get3A_280, %mul3A_369 : i32
      %get3A_371 = arith.constant 5 : index
      %get3A_372 = memref.load %arg4[%get3A_371] : memref<17xi32, #tpu.memory_space<smem>>
      %lt3A_373 = arith.cmpi slt, %add3A_370, %get3A_282 : i32
      %ge3A_374 = arith.constant 3355444 : i32
      %ge3A_375 = arith.cmpi sge, %get3A_372, %ge3A_374 : i32
      %and3A_376 = arith.andi %lt3A_373, %ge3A_375 : i1
      %max3A_377 = arith.maxsi %select_n3A_358, %add3A_370 : i32
      %select_n3A_378 = arith.select %and3A_376, %max3A_377, %select_n3A_358 : i32
      %lt3A_379 = arith.cmpi slt, %add3A_370, %get3A_282 : i32
      %lt3A_380 = arith.constant 3355444 : i32
      %lt3A_381 = arith.cmpi slt, %get3A_372, %lt3A_380 : i32
      %and3A_382 = arith.andi %lt3A_379, %lt3A_381 : i1
      %min3A_383 = arith.minsi %select_n3A_364, %add3A_370 : i32
      %select_n3A_384 = arith.select %and3A_382, %min3A_383, %select_n3A_364 : i32
      %swap3A_385 = arith.constant 0 : i32
      %swap3A_386 = arith.constant 5 : index
      %swap3A_387 = memref.load %arg4[%swap3A_386] : memref<17xi32, #tpu.memory_space<smem>>
      memref.store %swap3A_385, %arg4[%swap3A_386] : memref<17xi32, #tpu.memory_space<smem>>
      %mul3A_388 = arith.constant 5 : i32
      %mul3A_389 = arith.muli %max3A_309, %mul3A_388 : i32
      %add3A_390 = arith.addi %get3A_280, %mul3A_389 : i32
      %get3A_391 = arith.constant 6 : index
      %get3A_392 = memref.load %arg4[%get3A_391] : memref<17xi32, #tpu.memory_space<smem>>
      %lt3A_393 = arith.cmpi slt, %add3A_390, %get3A_282 : i32
      %ge3A_394 = arith.constant 3355444 : i32
      %ge3A_395 = arith.cmpi sge, %get3A_392, %ge3A_394 : i32
      %and3A_396 = arith.andi %lt3A_393, %ge3A_395 : i1
      %max3A_397 = arith.maxsi %select_n3A_378, %add3A_390 : i32
      %select_n3A_398 = arith.select %and3A_396, %max3A_397, %select_n3A_378 : i32
      %lt3A_399 = arith.cmpi slt, %add3A_390, %get3A_282 : i32
      %lt3A_400 = arith.constant 3355444 : i32
      %lt3A_401 = arith.cmpi slt, %get3A_392, %lt3A_400 : i32
      %and3A_402 = arith.andi %lt3A_399, %lt3A_401 : i1
      %min3A_403 = arith.minsi %select_n3A_384, %add3A_390 : i32
      %select_n3A_404 = arith.select %and3A_402, %min3A_403, %select_n3A_384 : i32
      %swap3A_405 = arith.constant 0 : i32
      %swap3A_406 = arith.constant 6 : index
      %swap3A_407 = memref.load %arg4[%swap3A_406] : memref<17xi32, #tpu.memory_space<smem>>
      memref.store %swap3A_405, %arg4[%swap3A_406] : memref<17xi32, #tpu.memory_space<smem>>
      %mul3A_408 = arith.constant 6 : i32
      %mul3A_409 = arith.muli %max3A_309, %mul3A_408 : i32
      %add3A_410 = arith.addi %get3A_280, %mul3A_409 : i32
      %get3A_411 = arith.constant 7 : index
      %get3A_412 = memref.load %arg4[%get3A_411] : memref<17xi32, #tpu.memory_space<smem>>
      %lt3A_413 = arith.cmpi slt, %add3A_410, %get3A_282 : i32
      %ge3A_414 = arith.constant 3355444 : i32
      %ge3A_415 = arith.cmpi sge, %get3A_412, %ge3A_414 : i32
      %and3A_416 = arith.andi %lt3A_413, %ge3A_415 : i1
      %max3A_417 = arith.maxsi %select_n3A_398, %add3A_410 : i32
      %select_n3A_418 = arith.select %and3A_416, %max3A_417, %select_n3A_398 : i32
      %lt3A_419 = arith.cmpi slt, %add3A_410, %get3A_282 : i32
      %lt3A_420 = arith.constant 3355444 : i32
      %lt3A_421 = arith.cmpi slt, %get3A_412, %lt3A_420 : i32
      %and3A_422 = arith.andi %lt3A_419, %lt3A_421 : i1
      %min3A_423 = arith.minsi %select_n3A_404, %add3A_410 : i32
      %select_n3A_424 = arith.select %and3A_422, %min3A_423, %select_n3A_404 : i32
      %swap3A_425 = arith.constant 0 : i32
      %swap3A_426 = arith.constant 7 : index
      %swap3A_427 = memref.load %arg4[%swap3A_426] : memref<17xi32, #tpu.memory_space<smem>>
      memref.store %swap3A_425, %arg4[%swap3A_426] : memref<17xi32, #tpu.memory_space<smem>>
      %mul3A_428 = arith.constant 7 : i32
      %mul3A_429 = arith.muli %max3A_309, %mul3A_428 : i32
      %add3A_430 = arith.addi %get3A_280, %mul3A_429 : i32
      %get3A_431 = arith.constant 8 : index
      %get3A_432 = memref.load %arg4[%get3A_431] : memref<17xi32, #tpu.memory_space<smem>>
      %lt3A_433 = arith.cmpi slt, %add3A_430, %get3A_282 : i32
      %ge3A_434 = arith.constant 3355444 : i32
      %ge3A_435 = arith.cmpi sge, %get3A_432, %ge3A_434 : i32
      %and3A_436 = arith.andi %lt3A_433, %ge3A_435 : i1
      %max3A_437 = arith.maxsi %select_n3A_418, %add3A_430 : i32
      %select_n3A_438 = arith.select %and3A_436, %max3A_437, %select_n3A_418 : i32
      %lt3A_439 = arith.cmpi slt, %add3A_430, %get3A_282 : i32
      %lt3A_440 = arith.constant 3355444 : i32
      %lt3A_441 = arith.cmpi slt, %get3A_432, %lt3A_440 : i32
      %and3A_442 = arith.andi %lt3A_439, %lt3A_441 : i1
      %min3A_443 = arith.minsi %select_n3A_424, %add3A_430 : i32
      %select_n3A_444 = arith.select %and3A_442, %min3A_443, %select_n3A_424 : i32
      %swap3A_445 = arith.constant 0 : i32
      %swap3A_446 = arith.constant 8 : index
      %swap3A_447 = memref.load %arg4[%swap3A_446] : memref<17xi32, #tpu.memory_space<smem>>
      memref.store %swap3A_445, %arg4[%swap3A_446] : memref<17xi32, #tpu.memory_space<smem>>
      %mul3A_448 = arith.constant 8 : i32
      %mul3A_449 = arith.muli %max3A_309, %mul3A_448 : i32
      %add3A_450 = arith.addi %get3A_280, %mul3A_449 : i32
      %get3A_451 = arith.constant 9 : index
      %get3A_452 = memref.load %arg4[%get3A_451] : memref<17xi32, #tpu.memory_space<smem>>
      %lt3A_453 = arith.cmpi slt, %add3A_450, %get3A_282 : i32
      %ge3A_454 = arith.constant 3355444 : i32
      %ge3A_455 = arith.cmpi sge, %get3A_452, %ge3A_454 : i32
      %and3A_456 = arith.andi %lt3A_453, %ge3A_455 : i1
      %max3A_457 = arith.maxsi %select_n3A_438, %add3A_450 : i32
      %select_n3A_458 = arith.select %and3A_456, %max3A_457, %select_n3A_438 : i32
      %lt3A_459 = arith.cmpi slt, %add3A_450, %get3A_282 : i32
      %lt3A_460 = arith.constant 3355444 : i32
      %lt3A_461 = arith.cmpi slt, %get3A_452, %lt3A_460 : i32
      %and3A_462 = arith.andi %lt3A_459, %lt3A_461 : i1
      %min3A_463 = arith.minsi %select_n3A_444, %add3A_450 : i32
      %select_n3A_464 = arith.select %and3A_462, %min3A_463, %select_n3A_444 : i32
      %swap3A_465 = arith.constant 0 : i32
      %swap3A_466 = arith.constant 9 : index
      %swap3A_467 = memref.load %arg4[%swap3A_466] : memref<17xi32, #tpu.memory_space<smem>>
      memref.store %swap3A_465, %arg4[%swap3A_466] : memref<17xi32, #tpu.memory_space<smem>>
      %mul3A_468 = arith.constant 9 : i32
      %mul3A_469 = arith.muli %max3A_309, %mul3A_468 : i32
      %add3A_470 = arith.addi %get3A_280, %mul3A_469 : i32
      %get3A_471 = arith.constant 10 : index
      %get3A_472 = memref.load %arg4[%get3A_471] : memref<17xi32, #tpu.memory_space<smem>>
      %lt3A_473 = arith.cmpi slt, %add3A_470, %get3A_282 : i32
      %ge3A_474 = arith.constant 3355444 : i32
      %ge3A_475 = arith.cmpi sge, %get3A_472, %ge3A_474 : i32
      %and3A_476 = arith.andi %lt3A_473, %ge3A_475 : i1
      %max3A_477 = arith.maxsi %select_n3A_458, %add3A_470 : i32
      %select_n3A_478 = arith.select %and3A_476, %max3A_477, %select_n3A_458 : i32
      %lt3A_479 = arith.cmpi slt, %add3A_470, %get3A_282 : i32
      %lt3A_480 = arith.constant 3355444 : i32
      %lt3A_481 = arith.cmpi slt, %get3A_472, %lt3A_480 : i32
      %and3A_482 = arith.andi %lt3A_479, %lt3A_481 : i1
      %min3A_483 = arith.minsi %select_n3A_464, %add3A_470 : i32
      %select_n3A_484 = arith.select %and3A_482, %min3A_483, %select_n3A_464 : i32
      %swap3A_485 = arith.constant 0 : i32
      %swap3A_486 = arith.constant 10 : index
      %swap3A_487 = memref.load %arg4[%swap3A_486] : memref<17xi32, #tpu.memory_space<smem>>
      memref.store %swap3A_485, %arg4[%swap3A_486] : memref<17xi32, #tpu.memory_space<smem>>
      %mul3A_488 = arith.constant 10 : i32
      %mul3A_489 = arith.muli %max3A_309, %mul3A_488 : i32
      %add3A_490 = arith.addi %get3A_280, %mul3A_489 : i32
      %get3A_491 = arith.constant 11 : index
      %get3A_492 = memref.load %arg4[%get3A_491] : memref<17xi32, #tpu.memory_space<smem>>
      %lt3A_493 = arith.cmpi slt, %add3A_490, %get3A_282 : i32
      %ge3A_494 = arith.constant 3355444 : i32
      %ge3A_495 = arith.cmpi sge, %get3A_492, %ge3A_494 : i32
      %and3A_496 = arith.andi %lt3A_493, %ge3A_495 : i1
      %max3A_497 = arith.maxsi %select_n3A_478, %add3A_490 : i32
      %select_n3A_498 = arith.select %and3A_496, %max3A_497, %select_n3A_478 : i32
      %lt3A_499 = arith.cmpi slt, %add3A_490, %get3A_282 : i32
      %lt3A_500 = arith.constant 3355444 : i32
      %lt3A_501 = arith.cmpi slt, %get3A_492, %lt3A_500 : i32
      %and3A_502 = arith.andi %lt3A_499, %lt3A_501 : i1
      %min3A_503 = arith.minsi %select_n3A_484, %add3A_490 : i32
      %select_n3A_504 = arith.select %and3A_502, %min3A_503, %select_n3A_484 : i32
      %swap3A_505 = arith.constant 0 : i32
      %swap3A_506 = arith.constant 11 : index
      %swap3A_507 = memref.load %arg4[%swap3A_506] : memref<17xi32, #tpu.memory_space<smem>>
      memref.store %swap3A_505, %arg4[%swap3A_506] : memref<17xi32, #tpu.memory_space<smem>>
      %mul3A_508 = arith.constant 11 : i32
      %mul3A_509 = arith.muli %max3A_309, %mul3A_508 : i32
      %add3A_510 = arith.addi %get3A_280, %mul3A_509 : i32
      %get3A_511 = arith.constant 12 : index
      %get3A_512 = memref.load %arg4[%get3A_511] : memref<17xi32, #tpu.memory_space<smem>>
      %lt3A_513 = arith.cmpi slt, %add3A_510, %get3A_282 : i32
      %ge3A_514 = arith.constant 3355444 : i32
      %ge3A_515 = arith.cmpi sge, %get3A_512, %ge3A_514 : i32
      %and3A_516 = arith.andi %lt3A_513, %ge3A_515 : i1
      %max3A_517 = arith.maxsi %select_n3A_498, %add3A_510 : i32
      %select_n3A_518 = arith.select %and3A_516, %max3A_517, %select_n3A_498 : i32
      %lt3A_519 = arith.cmpi slt, %add3A_510, %get3A_282 : i32
      %lt3A_520 = arith.constant 3355444 : i32
      %lt3A_521 = arith.cmpi slt, %get3A_512, %lt3A_520 : i32
      %and3A_522 = arith.andi %lt3A_519, %lt3A_521 : i1
      %min3A_523 = arith.minsi %select_n3A_504, %add3A_510 : i32
      %select_n3A_524 = arith.select %and3A_522, %min3A_523, %select_n3A_504 : i32
      %swap3A_525 = arith.constant 0 : i32
      %swap3A_526 = arith.constant 12 : index
      %swap3A_527 = memref.load %arg4[%swap3A_526] : memref<17xi32, #tpu.memory_space<smem>>
      memref.store %swap3A_525, %arg4[%swap3A_526] : memref<17xi32, #tpu.memory_space<smem>>
      %mul3A_528 = arith.constant 12 : i32
      %mul3A_529 = arith.muli %max3A_309, %mul3A_528 : i32
      %add3A_530 = arith.addi %get3A_280, %mul3A_529 : i32
      %get3A_531 = arith.constant 13 : index
      %get3A_532 = memref.load %arg4[%get3A_531] : memref<17xi32, #tpu.memory_space<smem>>
      %lt3A_533 = arith.cmpi slt, %add3A_530, %get3A_282 : i32
      %ge3A_534 = arith.constant 3355444 : i32
      %ge3A_535 = arith.cmpi sge, %get3A_532, %ge3A_534 : i32
      %and3A_536 = arith.andi %lt3A_533, %ge3A_535 : i1
      %max3A_537 = arith.maxsi %select_n3A_518, %add3A_530 : i32
      %select_n3A_538 = arith.select %and3A_536, %max3A_537, %select_n3A_518 : i32
      %lt3A_539 = arith.cmpi slt, %add3A_530, %get3A_282 : i32
      %lt3A_540 = arith.constant 3355444 : i32
      %lt3A_541 = arith.cmpi slt, %get3A_532, %lt3A_540 : i32
      %and3A_542 = arith.andi %lt3A_539, %lt3A_541 : i1
      %min3A_543 = arith.minsi %select_n3A_524, %add3A_530 : i32
      %select_n3A_544 = arith.select %and3A_542, %min3A_543, %select_n3A_524 : i32
      %swap3A_545 = arith.constant 0 : i32
      %swap3A_546 = arith.constant 13 : index
      %swap3A_547 = memref.load %arg4[%swap3A_546] : memref<17xi32, #tpu.memory_space<smem>>
      memref.store %swap3A_545, %arg4[%swap3A_546] : memref<17xi32, #tpu.memory_space<smem>>
      %mul3A_548 = arith.constant 13 : i32
      %mul3A_549 = arith.muli %max3A_309, %mul3A_548 : i32
      %add3A_550 = arith.addi %get3A_280, %mul3A_549 : i32
      %get3A_551 = arith.constant 14 : index
      %get3A_552 = memref.load %arg4[%get3A_551] : memref<17xi32, #tpu.memory_space<smem>>
      %lt3A_553 = arith.cmpi slt, %add3A_550, %get3A_282 : i32
      %ge3A_554 = arith.constant 3355444 : i32
      %ge3A_555 = arith.cmpi sge, %get3A_552, %ge3A_554 : i32
      %and3A_556 = arith.andi %lt3A_553, %ge3A_555 : i1
      %max3A_557 = arith.maxsi %select_n3A_538, %add3A_550 : i32
      %select_n3A_558 = arith.select %and3A_556, %max3A_557, %select_n3A_538 : i32
      %lt3A_559 = arith.cmpi slt, %add3A_550, %get3A_282 : i32
      %lt3A_560 = arith.constant 3355444 : i32
      %lt3A_561 = arith.cmpi slt, %get3A_552, %lt3A_560 : i32
      %and3A_562 = arith.andi %lt3A_559, %lt3A_561 : i1
      %min3A_563 = arith.minsi %select_n3A_544, %add3A_550 : i32
      %select_n3A_564 = arith.select %and3A_562, %min3A_563, %select_n3A_544 : i32
      %swap3A_565 = arith.constant 0 : i32
      %swap3A_566 = arith.constant 14 : index
      %swap3A_567 = memref.load %arg4[%swap3A_566] : memref<17xi32, #tpu.memory_space<smem>>
      memref.store %swap3A_565, %arg4[%swap3A_566] : memref<17xi32, #tpu.memory_space<smem>>
      %mul3A_568 = arith.constant 14 : i32
      %mul3A_569 = arith.muli %max3A_309, %mul3A_568 : i32
      %add3A_570 = arith.addi %get3A_280, %mul3A_569 : i32
      %get3A_571 = arith.constant 15 : index
      %get3A_572 = memref.load %arg4[%get3A_571] : memref<17xi32, #tpu.memory_space<smem>>
      %lt3A_573 = arith.cmpi slt, %add3A_570, %get3A_282 : i32
      %ge3A_574 = arith.constant 3355444 : i32
      %ge3A_575 = arith.cmpi sge, %get3A_572, %ge3A_574 : i32
      %and3A_576 = arith.andi %lt3A_573, %ge3A_575 : i1
      %max3A_577 = arith.maxsi %select_n3A_558, %add3A_570 : i32
      %select_n3A_578 = arith.select %and3A_576, %max3A_577, %select_n3A_558 : i32
      %lt3A_579 = arith.cmpi slt, %add3A_570, %get3A_282 : i32
      %lt3A_580 = arith.constant 3355444 : i32
      %lt3A_581 = arith.cmpi slt, %get3A_572, %lt3A_580 : i32
      %and3A_582 = arith.andi %lt3A_579, %lt3A_581 : i1
      %min3A_583 = arith.minsi %select_n3A_564, %add3A_570 : i32
      %select_n3A_584 = arith.select %and3A_582, %min3A_583, %select_n3A_564 : i32
      %swap3A_585 = arith.constant 0 : i32
      %swap3A_586 = arith.constant 15 : index
      %swap3A_587 = memref.load %arg4[%swap3A_586] : memref<17xi32, #tpu.memory_space<smem>>
      memref.store %swap3A_585, %arg4[%swap3A_586] : memref<17xi32, #tpu.memory_space<smem>>
      %mul3A_588 = arith.constant 15 : i32
      %mul3A_589 = arith.muli %max3A_309, %mul3A_588 : i32
      %add3A_590 = arith.addi %get3A_280, %mul3A_589 : i32
      %get3A_591 = arith.constant 16 : index
      %get3A_592 = memref.load %arg4[%get3A_591] : memref<17xi32, #tpu.memory_space<smem>>
      %lt3A_593 = arith.cmpi slt, %add3A_590, %get3A_282 : i32
      %ge3A_594 = arith.constant 3355444 : i32
      %ge3A_595 = arith.cmpi sge, %get3A_592, %ge3A_594 : i32
      %and3A_596 = arith.andi %lt3A_593, %ge3A_595 : i1
      %max3A_597 = arith.maxsi %select_n3A_578, %add3A_590 : i32
      %select_n3A_598 = arith.select %and3A_596, %max3A_597, %select_n3A_578 : i32
      %lt3A_599 = arith.cmpi slt, %add3A_590, %get3A_282 : i32
      %lt3A_600 = arith.constant 3355444 : i32
      %lt3A_601 = arith.cmpi slt, %get3A_592, %lt3A_600 : i32
      %and3A_602 = arith.andi %lt3A_599, %lt3A_601 : i1
      %min3A_603 = arith.minsi %select_n3A_584, %add3A_590 : i32
      %select_n3A_604 = arith.select %and3A_602, %min3A_603, %select_n3A_584 : i32
      %swap3A_605 = arith.constant 0 : i32
      %swap3A_606 = arith.constant 16 : index
      %swap3A_607 = memref.load %arg4[%swap3A_606] : memref<17xi32, #tpu.memory_space<smem>>
      memref.store %swap3A_605, %arg4[%swap3A_606] : memref<17xi32, #tpu.memory_space<smem>>
      %swap3A_608 = arith.constant 0 : index
      %swap3A_609 = memref.load %arg4[%swap3A_608] : memref<17xi32, #tpu.memory_space<smem>>
      memref.store %select_n3A_598, %arg4[%swap3A_608] : memref<17xi32, #tpu.memory_space<smem>>
      %swap3A_610 = arith.constant 1 : index
      %swap3A_611 = memref.load %arg4[%swap3A_610] : memref<17xi32, #tpu.memory_space<smem>>
      memref.store %select_n3A_604, %arg4[%swap3A_610] : memref<17xi32, #tpu.memory_space<smem>>
    } else {
    }
    %get3A = arith.constant 0 : index
    %get3A_11 = memref.load %arg4[%get3A] : memref<17xi32, #tpu.memory_space<smem>>
    %get3A_12 = arith.constant 1 : index
    %get3A_13 = memref.load %arg4[%get3A_12] : memref<17xi32, #tpu.memory_space<smem>>
    %sub3A = arith.subi %get3A_13, %get3A_11 : i32
    %jit3A = arith.constant 16 : i32
    %div3A = arith.divsi %sub3A, %jit3A : i32
    %sign3A = arith.constant 0 : i32
    %sign3A_14 = arith.cmpi sgt, %sub3A, %sign3A : i32
    %sign3A_15 = arith.extui %sign3A_14 : i1 to i32
    %sign3A_16 = arith.constant 0 : i32
    %sign3A_17 = arith.cmpi slt, %sub3A, %sign3A_16 : i32
    %sign3A_18 = arith.extui %sign3A_17 : i1 to i32
    %sign3A_19 = arith.subi %sign3A_15, %sign3A_18 : i32
    %sign3A_20 = arith.constant 0 : i32
    %sign3A_21 = arith.cmpi sgt, %jit3A, %sign3A_20 : i32
    %sign3A_22 = arith.extui %sign3A_21 : i1 to i32
    %sign3A_23 = arith.constant 0 : i32
    %sign3A_24 = arith.cmpi slt, %jit3A, %sign3A_23 : i32
    %sign3A_25 = arith.extui %sign3A_24 : i1 to i32
    %sign3A_26 = arith.subi %sign3A_22, %sign3A_25 : i32
    %ne3A = arith.cmpi ne, %sign3A_19, %sign3A_26 : i32
    %rem3A = arith.remsi %sub3A, %jit3A : i32
    %ne3A_27 = arith.constant 0 : i32
    %ne3A_28 = arith.cmpi ne, %rem3A, %ne3A_27 : i32
    %and3A_29 = arith.andi %ne3A, %ne3A_28 : i1
    %sub3A_30 = arith.constant 1 : i32
    %sub3A_31 = arith.subi %div3A, %sub3A_30 : i32
    %select_n3A = arith.select %and3A_29, %sub3A_31, %div3A : i32
    %max3A = arith.constant 1 : i32
    %max3A_32 = arith.maxsi %select_n3A, %max3A : i32
    %get3A_33 = arith.constant 0 : index
    %get3A_34 = arith.constant 0 : index
    %get3A_35 = vector.load %arg2[%get3A_33, %get3A_34] : memref<128x4096xi32, #tpu.memory_space<vmem>>, vector<128x4096xi32>
    %mul3A = arith.constant 1 : i32
    %mul3A_36 = arith.muli %max3A_32, %mul3A : i32
    %add3A = arith.addi %get3A_11, %mul3A_36 : i32
    %get3A_37 = arith.constant 2 : index
    %get3A_38 = memref.load %arg4[%get3A_37] : memref<17xi32, #tpu.memory_space<smem>>
    %ge3A = vector.broadcast %add3A : i32 to vector<128x4096xi32>
    %ge3A_39 = arith.cmpi sge, %get3A_35, %ge3A : vector<128x4096xi32>
    %convert_element_type3A_40 = arith.extui %ge3A_39 : vector<128x4096xi1> to vector<128x4096xi32>
    %reduce_sum3A = vector.shape_cast %convert_element_type3A_40 : vector<128x4096xi32> to vector<1x128x4096xi32>
    %reduce_sum3A_41 = arith.constant dense<0> : vector<1xi32>
    %reduce_sum3A_42 = vector.multi_reduction <add>, %reduce_sum3A, %reduce_sum3A_41 [1, 2] : vector<1x128x4096xi32> to vector<1xi32>
    %reduce_sum3A_43 = vector.shape_cast %reduce_sum3A_42 : vector<1xi32> to vector<1x1x1xi32>
    %reduce_sum3A_44 = vector.extract %reduce_sum3A_43[0, 0, 0] : i32 from vector<1x1x1xi32>
    %add3A_45 = arith.addi %get3A_38, %reduce_sum3A_44 : i32
    %swap3A = arith.constant 2 : index
    %swap3A_46 = memref.load %arg4[%swap3A] : memref<17xi32, #tpu.memory_space<smem>>
    memref.store %add3A_45, %arg4[%swap3A] : memref<17xi32, #tpu.memory_space<smem>>
    %mul3A_47 = arith.constant 2 : i32
    %mul3A_48 = arith.muli %max3A_32, %mul3A_47 : i32
    %add3A_49 = arith.addi %get3A_11, %mul3A_48 : i32
    %get3A_50 = arith.constant 3 : index
    %get3A_51 = memref.load %arg4[%get3A_50] : memref<17xi32, #tpu.memory_space<smem>>
    %ge3A_52 = vector.broadcast %add3A_49 : i32 to vector<128x4096xi32>
    %ge3A_53 = arith.cmpi sge, %get3A_35, %ge3A_52 : vector<128x4096xi32>
    %convert_element_type3A_54 = arith.extui %ge3A_53 : vector<128x4096xi1> to vector<128x4096xi32>
    %reduce_sum3A_55 = vector.shape_cast %convert_element_type3A_54 : vector<128x4096xi32> to vector<1x128x4096xi32>
    %reduce_sum3A_56 = arith.constant dense<0> : vector<1xi32>
    %reduce_sum3A_57 = vector.multi_reduction <add>, %reduce_sum3A_55, %reduce_sum3A_56 [1, 2] : vector<1x128x4096xi32> to vector<1xi32>
    %reduce_sum3A_58 = vector.shape_cast %reduce_sum3A_57 : vector<1xi32> to vector<1x1x1xi32>
    %reduce_sum3A_59 = vector.extract %reduce_sum3A_58[0, 0, 0] : i32 from vector<1x1x1xi32>
    %add3A_60 = arith.addi %get3A_51, %reduce_sum3A_59 : i32
    %swap3A_61 = arith.constant 3 : index
    %swap3A_62 = memref.load %arg4[%swap3A_61] : memref<17xi32, #tpu.memory_space<smem>>
    memref.store %add3A_60, %arg4[%swap3A_61] : memref<17xi32, #tpu.memory_space<smem>>
    %mul3A_63 = arith.constant 3 : i32
    %mul3A_64 = arith.muli %max3A_32, %mul3A_63 : i32
    %add3A_65 = arith.addi %get3A_11, %mul3A_64 : i32
    %get3A_66 = arith.constant 4 : index
    %get3A_67 = memref.load %arg4[%get3A_66] : memref<17xi32, #tpu.memory_space<smem>>
    %ge3A_68 = vector.broadcast %add3A_65 : i32 to vector<128x4096xi32>
    %ge3A_69 = arith.cmpi sge, %get3A_35, %ge3A_68 : vector<128x4096xi32>
    %convert_element_type3A_70 = arith.extui %ge3A_69 : vector<128x4096xi1> to vector<128x4096xi32>
    %reduce_sum3A_71 = vector.shape_cast %convert_element_type3A_70 : vector<128x4096xi32> to vector<1x128x4096xi32>
    %reduce_sum3A_72 = arith.constant dense<0> : vector<1xi32>
    %reduce_sum3A_73 = vector.multi_reduction <add>, %reduce_sum3A_71, %reduce_sum3A_72 [1, 2] : vector<1x128x4096xi32> to vector<1xi32>
    %reduce_sum3A_74 = vector.shape_cast %reduce_sum3A_73 : vector<1xi32> to vector<1x1x1xi32>
    %reduce_sum3A_75 = vector.extract %reduce_sum3A_74[0, 0, 0] : i32 from vector<1x1x1xi32>
    %add3A_76 = arith.addi %get3A_67, %reduce_sum3A_75 : i32
    %swap3A_77 = arith.constant 4 : index
    %swap3A_78 = memref.load %arg4[%swap3A_77] : memref<17xi32, #tpu.memory_space<smem>>
    memref.store %add3A_76, %arg4[%swap3A_77] : memref<17xi32, #tpu.memory_space<smem>>
    %mul3A_79 = arith.constant 4 : i32
    %mul3A_80 = arith.muli %max3A_32, %mul3A_79 : i32
    %add3A_81 = arith.addi %get3A_11, %mul3A_80 : i32
    %get3A_82 = arith.constant 5 : index
    %get3A_83 = memref.load %arg4[%get3A_82] : memref<17xi32, #tpu.memory_space<smem>>
    %ge3A_84 = vector.broadcast %add3A_81 : i32 to vector<128x4096xi32>
    %ge3A_85 = arith.cmpi sge, %get3A_35, %ge3A_84 : vector<128x4096xi32>
    %convert_element_type3A_86 = arith.extui %ge3A_85 : vector<128x4096xi1> to vector<128x4096xi32>
    %reduce_sum3A_87 = vector.shape_cast %convert_element_type3A_86 : vector<128x4096xi32> to vector<1x128x4096xi32>
    %reduce_sum3A_88 = arith.constant dense<0> : vector<1xi32>
    %reduce_sum3A_89 = vector.multi_reduction <add>, %reduce_sum3A_87, %reduce_sum3A_88 [1, 2] : vector<1x128x4096xi32> to vector<1xi32>
    %reduce_sum3A_90 = vector.shape_cast %reduce_sum3A_89 : vector<1xi32> to vector<1x1x1xi32>
    %reduce_sum3A_91 = vector.extract %reduce_sum3A_90[0, 0, 0] : i32 from vector<1x1x1xi32>
    %add3A_92 = arith.addi %get3A_83, %reduce_sum3A_91 : i32
    %swap3A_93 = arith.constant 5 : index
    %swap3A_94 = memref.load %arg4[%swap3A_93] : memref<17xi32, #tpu.memory_space<smem>>
    memref.store %add3A_92, %arg4[%swap3A_93] : memref<17xi32, #tpu.memory_space<smem>>
    %mul3A_95 = arith.constant 5 : i32
    %mul3A_96 = arith.muli %max3A_32, %mul3A_95 : i32
    %add3A_97 = arith.addi %get3A_11, %mul3A_96 : i32
    %get3A_98 = arith.constant 6 : index
    %get3A_99 = memref.load %arg4[%get3A_98] : memref<17xi32, #tpu.memory_space<smem>>
    %ge3A_100 = vector.broadcast %add3A_97 : i32 to vector<128x4096xi32>
    %ge3A_101 = arith.cmpi sge, %get3A_35, %ge3A_100 : vector<128x4096xi32>
    %convert_element_type3A_102 = arith.extui %ge3A_101 : vector<128x4096xi1> to vector<128x4096xi32>
    %reduce_sum3A_103 = vector.shape_cast %convert_element_type3A_102 : vector<128x4096xi32> to vector<1x128x4096xi32>
    %reduce_sum3A_104 = arith.constant dense<0> : vector<1xi32>
    %reduce_sum3A_105 = vector.multi_reduction <add>, %reduce_sum3A_103, %reduce_sum3A_104 [1, 2] : vector<1x128x4096xi32> to vector<1xi32>
    %reduce_sum3A_106 = vector.shape_cast %reduce_sum3A_105 : vector<1xi32> to vector<1x1x1xi32>
    %reduce_sum3A_107 = vector.extract %reduce_sum3A_106[0, 0, 0] : i32 from vector<1x1x1xi32>
    %add3A_108 = arith.addi %get3A_99, %reduce_sum3A_107 : i32
    %swap3A_109 = arith.constant 6 : index
    %swap3A_110 = memref.load %arg4[%swap3A_109] : memref<17xi32, #tpu.memory_space<smem>>
    memref.store %add3A_108, %arg4[%swap3A_109] : memref<17xi32, #tpu.memory_space<smem>>
    %mul3A_111 = arith.constant 6 : i32
    %mul3A_112 = arith.muli %max3A_32, %mul3A_111 : i32
    %add3A_113 = arith.addi %get3A_11, %mul3A_112 : i32
    %get3A_114 = arith.constant 7 : index
    %get3A_115 = memref.load %arg4[%get3A_114] : memref<17xi32, #tpu.memory_space<smem>>
    %ge3A_116 = vector.broadcast %add3A_113 : i32 to vector<128x4096xi32>
    %ge3A_117 = arith.cmpi sge, %get3A_35, %ge3A_116 : vector<128x4096xi32>
    %convert_element_type3A_118 = arith.extui %ge3A_117 : vector<128x4096xi1> to vector<128x4096xi32>
    %reduce_sum3A_119 = vector.shape_cast %convert_element_type3A_118 : vector<128x4096xi32> to vector<1x128x4096xi32>
    %reduce_sum3A_120 = arith.constant dense<0> : vector<1xi32>
    %reduce_sum3A_121 = vector.multi_reduction <add>, %reduce_sum3A_119, %reduce_sum3A_120 [1, 2] : vector<1x128x4096xi32> to vector<1xi32>
    %reduce_sum3A_122 = vector.shape_cast %reduce_sum3A_121 : vector<1xi32> to vector<1x1x1xi32>
    %reduce_sum3A_123 = vector.extract %reduce_sum3A_122[0, 0, 0] : i32 from vector<1x1x1xi32>
    %add3A_124 = arith.addi %get3A_115, %reduce_sum3A_123 : i32
    %swap3A_125 = arith.constant 7 : index
    %swap3A_126 = memref.load %arg4[%swap3A_125] : memref<17xi32, #tpu.memory_space<smem>>
    memref.store %add3A_124, %arg4[%swap3A_125] : memref<17xi32, #tpu.memory_space<smem>>
    %mul3A_127 = arith.constant 7 : i32
    %mul3A_128 = arith.muli %max3A_32, %mul3A_127 : i32
    %add3A_129 = arith.addi %get3A_11, %mul3A_128 : i32
    %get3A_130 = arith.constant 8 : index
    %get3A_131 = memref.load %arg4[%get3A_130] : memref<17xi32, #tpu.memory_space<smem>>
    %ge3A_132 = vector.broadcast %add3A_129 : i32 to vector<128x4096xi32>
    %ge3A_133 = arith.cmpi sge, %get3A_35, %ge3A_132 : vector<128x4096xi32>
    %convert_element_type3A_134 = arith.extui %ge3A_133 : vector<128x4096xi1> to vector<128x4096xi32>
    %reduce_sum3A_135 = vector.shape_cast %convert_element_type3A_134 : vector<128x4096xi32> to vector<1x128x4096xi32>
    %reduce_sum3A_136 = arith.constant dense<0> : vector<1xi32>
    %reduce_sum3A_137 = vector.multi_reduction <add>, %reduce_sum3A_135, %reduce_sum3A_136 [1, 2] : vector<1x128x4096xi32> to vector<1xi32>
    %reduce_sum3A_138 = vector.shape_cast %reduce_sum3A_137 : vector<1xi32> to vector<1x1x1xi32>
    %reduce_sum3A_139 = vector.extract %reduce_sum3A_138[0, 0, 0] : i32 from vector<1x1x1xi32>
    %add3A_140 = arith.addi %get3A_131, %reduce_sum3A_139 : i32
    %swap3A_141 = arith.constant 8 : index
    %swap3A_142 = memref.load %arg4[%swap3A_141] : memref<17xi32, #tpu.memory_space<smem>>
    memref.store %add3A_140, %arg4[%swap3A_141] : memref<17xi32, #tpu.memory_space<smem>>
    %mul3A_143 = arith.constant 8 : i32
    %mul3A_144 = arith.muli %max3A_32, %mul3A_143 : i32
    %add3A_145 = arith.addi %get3A_11, %mul3A_144 : i32
    %get3A_146 = arith.constant 9 : index
    %get3A_147 = memref.load %arg4[%get3A_146] : memref<17xi32, #tpu.memory_space<smem>>
    %ge3A_148 = vector.broadcast %add3A_145 : i32 to vector<128x4096xi32>
    %ge3A_149 = arith.cmpi sge, %get3A_35, %ge3A_148 : vector<128x4096xi32>
    %convert_element_type3A_150 = arith.extui %ge3A_149 : vector<128x4096xi1> to vector<128x4096xi32>
    %reduce_sum3A_151 = vector.shape_cast %convert_element_type3A_150 : vector<128x4096xi32> to vector<1x128x4096xi32>
    %reduce_sum3A_152 = arith.constant dense<0> : vector<1xi32>
    %reduce_sum3A_153 = vector.multi_reduction <add>, %reduce_sum3A_151, %reduce_sum3A_152 [1, 2] : vector<1x128x4096xi32> to vector<1xi32>
    %reduce_sum3A_154 = vector.shape_cast %reduce_sum3A_153 : vector<1xi32> to vector<1x1x1xi32>
    %reduce_sum3A_155 = vector.extract %reduce_sum3A_154[0, 0, 0] : i32 from vector<1x1x1xi32>
    %add3A_156 = arith.addi %get3A_147, %reduce_sum3A_155 : i32
    %swap3A_157 = arith.constant 9 : index
    %swap3A_158 = memref.load %arg4[%swap3A_157] : memref<17xi32, #tpu.memory_space<smem>>
    memref.store %add3A_156, %arg4[%swap3A_157] : memref<17xi32, #tpu.memory_space<smem>>
    %mul3A_159 = arith.constant 9 : i32
    %mul3A_160 = arith.muli %max3A_32, %mul3A_159 : i32
    %add3A_161 = arith.addi %get3A_11, %mul3A_160 : i32
    %get3A_162 = arith.constant 10 : index
    %get3A_163 = memref.load %arg4[%get3A_162] : memref<17xi32, #tpu.memory_space<smem>>
    %ge3A_164 = vector.broadcast %add3A_161 : i32 to vector<128x4096xi32>
    %ge3A_165 = arith.cmpi sge, %get3A_35, %ge3A_164 : vector<128x4096xi32>
    %convert_element_type3A_166 = arith.extui %ge3A_165 : vector<128x4096xi1> to vector<128x4096xi32>
    %reduce_sum3A_167 = vector.shape_cast %convert_element_type3A_166 : vector<128x4096xi32> to vector<1x128x4096xi32>
    %reduce_sum3A_168 = arith.constant dense<0> : vector<1xi32>
    %reduce_sum3A_169 = vector.multi_reduction <add>, %reduce_sum3A_167, %reduce_sum3A_168 [1, 2] : vector<1x128x4096xi32> to vector<1xi32>
    %reduce_sum3A_170 = vector.shape_cast %reduce_sum3A_169 : vector<1xi32> to vector<1x1x1xi32>
    %reduce_sum3A_171 = vector.extract %reduce_sum3A_170[0, 0, 0] : i32 from vector<1x1x1xi32>
    %add3A_172 = arith.addi %get3A_163, %reduce_sum3A_171 : i32
    %swap3A_173 = arith.constant 10 : index
    %swap3A_174 = memref.load %arg4[%swap3A_173] : memref<17xi32, #tpu.memory_space<smem>>
    memref.store %add3A_172, %arg4[%swap3A_173] : memref<17xi32, #tpu.memory_space<smem>>
    %mul3A_175 = arith.constant 10 : i32
    %mul3A_176 = arith.muli %max3A_32, %mul3A_175 : i32
    %add3A_177 = arith.addi %get3A_11, %mul3A_176 : i32
    %get3A_178 = arith.constant 11 : index
    %get3A_179 = memref.load %arg4[%get3A_178] : memref<17xi32, #tpu.memory_space<smem>>
    %ge3A_180 = vector.broadcast %add3A_177 : i32 to vector<128x4096xi32>
    %ge3A_181 = arith.cmpi sge, %get3A_35, %ge3A_180 : vector<128x4096xi32>
    %convert_element_type3A_182 = arith.extui %ge3A_181 : vector<128x4096xi1> to vector<128x4096xi32>
    %reduce_sum3A_183 = vector.shape_cast %convert_element_type3A_182 : vector<128x4096xi32> to vector<1x128x4096xi32>
    %reduce_sum3A_184 = arith.constant dense<0> : vector<1xi32>
    %reduce_sum3A_185 = vector.multi_reduction <add>, %reduce_sum3A_183, %reduce_sum3A_184 [1, 2] : vector<1x128x4096xi32> to vector<1xi32>
    %reduce_sum3A_186 = vector.shape_cast %reduce_sum3A_185 : vector<1xi32> to vector<1x1x1xi32>
    %reduce_sum3A_187 = vector.extract %reduce_sum3A_186[0, 0, 0] : i32 from vector<1x1x1xi32>
    %add3A_188 = arith.addi %get3A_179, %reduce_sum3A_187 : i32
    %swap3A_189 = arith.constant 11 : index
    %swap3A_190 = memref.load %arg4[%swap3A_189] : memref<17xi32, #tpu.memory_space<smem>>
    memref.store %add3A_188, %arg4[%swap3A_189] : memref<17xi32, #tpu.memory_space<smem>>
    %mul3A_191 = arith.constant 11 : i32
    %mul3A_192 = arith.muli %max3A_32, %mul3A_191 : i32
    %add3A_193 = arith.addi %get3A_11, %mul3A_192 : i32
    %get3A_194 = arith.constant 12 : index
    %get3A_195 = memref.load %arg4[%get3A_194] : memref<17xi32, #tpu.memory_space<smem>>
    %ge3A_196 = vector.broadcast %add3A_193 : i32 to vector<128x4096xi32>
    %ge3A_197 = arith.cmpi sge, %get3A_35, %ge3A_196 : vector<128x4096xi32>
    %convert_element_type3A_198 = arith.extui %ge3A_197 : vector<128x4096xi1> to vector<128x4096xi32>
    %reduce_sum3A_199 = vector.shape_cast %convert_element_type3A_198 : vector<128x4096xi32> to vector<1x128x4096xi32>
    %reduce_sum3A_200 = arith.constant dense<0> : vector<1xi32>
    %reduce_sum3A_201 = vector.multi_reduction <add>, %reduce_sum3A_199, %reduce_sum3A_200 [1, 2] : vector<1x128x4096xi32> to vector<1xi32>
    %reduce_sum3A_202 = vector.shape_cast %reduce_sum3A_201 : vector<1xi32> to vector<1x1x1xi32>
    %reduce_sum3A_203 = vector.extract %reduce_sum3A_202[0, 0, 0] : i32 from vector<1x1x1xi32>
    %add3A_204 = arith.addi %get3A_195, %reduce_sum3A_203 : i32
    %swap3A_205 = arith.constant 12 : index
    %swap3A_206 = memref.load %arg4[%swap3A_205] : memref<17xi32, #tpu.memory_space<smem>>
    memref.store %add3A_204, %arg4[%swap3A_205] : memref<17xi32, #tpu.memory_space<smem>>
    %mul3A_207 = arith.constant 12 : i32
    %mul3A_208 = arith.muli %max3A_32, %mul3A_207 : i32
    %add3A_209 = arith.addi %get3A_11, %mul3A_208 : i32
    %get3A_210 = arith.constant 13 : index
    %get3A_211 = memref.load %arg4[%get3A_210] : memref<17xi32, #tpu.memory_space<smem>>
    %ge3A_212 = vector.broadcast %add3A_209 : i32 to vector<128x4096xi32>
    %ge3A_213 = arith.cmpi sge, %get3A_35, %ge3A_212 : vector<128x4096xi32>
    %convert_element_type3A_214 = arith.extui %ge3A_213 : vector<128x4096xi1> to vector<128x4096xi32>
    %reduce_sum3A_215 = vector.shape_cast %convert_element_type3A_214 : vector<128x4096xi32> to vector<1x128x4096xi32>
    %reduce_sum3A_216 = arith.constant dense<0> : vector<1xi32>
    %reduce_sum3A_217 = vector.multi_reduction <add>, %reduce_sum3A_215, %reduce_sum3A_216 [1, 2] : vector<1x128x4096xi32> to vector<1xi32>
    %reduce_sum3A_218 = vector.shape_cast %reduce_sum3A_217 : vector<1xi32> to vector<1x1x1xi32>
    %reduce_sum3A_219 = vector.extract %reduce_sum3A_218[0, 0, 0] : i32 from vector<1x1x1xi32>
    %add3A_220 = arith.addi %get3A_211, %reduce_sum3A_219 : i32
    %swap3A_221 = arith.constant 13 : index
    %swap3A_222 = memref.load %arg4[%swap3A_221] : memref<17xi32, #tpu.memory_space<smem>>
    memref.store %add3A_220, %arg4[%swap3A_221] : memref<17xi32, #tpu.memory_space<smem>>
    %mul3A_223 = arith.constant 13 : i32
    %mul3A_224 = arith.muli %max3A_32, %mul3A_223 : i32
    %add3A_225 = arith.addi %get3A_11, %mul3A_224 : i32
    %get3A_226 = arith.constant 14 : index
    %get3A_227 = memref.load %arg4[%get3A_226] : memref<17xi32, #tpu.memory_space<smem>>
    %ge3A_228 = vector.broadcast %add3A_225 : i32 to vector<128x4096xi32>
    %ge3A_229 = arith.cmpi sge, %get3A_35, %ge3A_228 : vector<128x4096xi32>
    %convert_element_type3A_230 = arith.extui %ge3A_229 : vector<128x4096xi1> to vector<128x4096xi32>
    %reduce_sum3A_231 = vector.shape_cast %convert_element_type3A_230 : vector<128x4096xi32> to vector<1x128x4096xi32>
    %reduce_sum3A_232 = arith.constant dense<0> : vector<1xi32>
    %reduce_sum3A_233 = vector.multi_reduction <add>, %reduce_sum3A_231, %reduce_sum3A_232 [1, 2] : vector<1x128x4096xi32> to vector<1xi32>
    %reduce_sum3A_234 = vector.shape_cast %reduce_sum3A_233 : vector<1xi32> to vector<1x1x1xi32>
    %reduce_sum3A_235 = vector.extract %reduce_sum3A_234[0, 0, 0] : i32 from vector<1x1x1xi32>
    %add3A_236 = arith.addi %get3A_227, %reduce_sum3A_235 : i32
    %swap3A_237 = arith.constant 14 : index
    %swap3A_238 = memref.load %arg4[%swap3A_237] : memref<17xi32, #tpu.memory_space<smem>>
    memref.store %add3A_236, %arg4[%swap3A_237] : memref<17xi32, #tpu.memory_space<smem>>
    %mul3A_239 = arith.constant 14 : i32
    %mul3A_240 = arith.muli %max3A_32, %mul3A_239 : i32
    %add3A_241 = arith.addi %get3A_11, %mul3A_240 : i32
    %get3A_242 = arith.constant 15 : index
    %get3A_243 = memref.load %arg4[%get3A_242] : memref<17xi32, #tpu.memory_space<smem>>
    %ge3A_244 = vector.broadcast %add3A_241 : i32 to vector<128x4096xi32>
    %ge3A_245 = arith.cmpi sge, %get3A_35, %ge3A_244 : vector<128x4096xi32>
    %convert_element_type3A_246 = arith.extui %ge3A_245 : vector<128x4096xi1> to vector<128x4096xi32>
    %reduce_sum3A_247 = vector.shape_cast %convert_element_type3A_246 : vector<128x4096xi32> to vector<1x128x4096xi32>
    %reduce_sum3A_248 = arith.constant dense<0> : vector<1xi32>
    %reduce_sum3A_249 = vector.multi_reduction <add>, %reduce_sum3A_247, %reduce_sum3A_248 [1, 2] : vector<1x128x4096xi32> to vector<1xi32>
    %reduce_sum3A_250 = vector.shape_cast %reduce_sum3A_249 : vector<1xi32> to vector<1x1x1xi32>
    %reduce_sum3A_251 = vector.extract %reduce_sum3A_250[0, 0, 0] : i32 from vector<1x1x1xi32>
    %add3A_252 = arith.addi %get3A_243, %reduce_sum3A_251 : i32
    %swap3A_253 = arith.constant 15 : index
    %swap3A_254 = memref.load %arg4[%swap3A_253] : memref<17xi32, #tpu.memory_space<smem>>
    memref.store %add3A_252, %arg4[%swap3A_253] : memref<17xi32, #tpu.memory_space<smem>>
    %mul3A_255 = arith.constant 15 : i32
    %mul3A_256 = arith.muli %max3A_32, %mul3A_255 : i32
    %add3A_257 = arith.addi %get3A_11, %mul3A_256 : i32
    %get3A_258 = arith.constant 16 : index
    %get3A_259 = memref.load %arg4[%get3A_258] : memref<17xi32, #tpu.memory_space<smem>>
    %ge3A_260 = vector.broadcast %add3A_257 : i32 to vector<128x4096xi32>
    %ge3A_261 = arith.cmpi sge, %get3A_35, %ge3A_260 : vector<128x4096xi32>
    %convert_element_type3A_262 = arith.extui %ge3A_261 : vector<128x4096xi1> to vector<128x4096xi32>
    %reduce_sum3A_263 = vector.shape_cast %convert_element_type3A_262 : vector<128x4096xi32> to vector<1x128x4096xi32>
    %reduce_sum3A_264 = arith.constant dense<0> : vector<1xi32>
    %reduce_sum3A_265 = vector.multi_reduction <add>, %reduce_sum3A_263, %reduce_sum3A_264 [1, 2] : vector<1x128x4096xi32> to vector<1xi32>
    %reduce_sum3A_266 = vector.shape_cast %reduce_sum3A_265 : vector<1xi32> to vector<1x1x1xi32>
    %reduce_sum3A_267 = vector.extract %reduce_sum3A_266[0, 0, 0] : i32 from vector<1x1x1xi32>
    %add3A_268 = arith.addi %get3A_259, %reduce_sum3A_267 : i32
    %swap3A_269 = arith.constant 16 : index
    %swap3A_270 = memref.load %arg4[%swap3A_269] : memref<17xi32, #tpu.memory_space<smem>>
    memref.store %add3A_268, %arg4[%swap3A_269] : memref<17xi32, #tpu.memory_space<smem>>
    %eq3A_271 = arith.constant 7 : i32
    %eq3A_272 = arith.cmpi eq, %arg0, %eq3A_271 : i32
    %eq3A_273 = arith.constant 31 : i32
    %eq3A_274 = arith.cmpi eq, %arg1, %eq3A_273 : i32
    %and3A_275 = arith.andi %eq3A_272, %eq3A_274 : i1
    %convert_element_type3A_276 = arith.extui %and3A_275 : i1 to i32
    %cond3A_277 = arith.constant 0 : i32
    %cond3A_278 = arith.cmpi ne, %convert_element_type3A_276, %cond3A_277 : i32
    scf.if %cond3A_278 {
      %get3A_279 = arith.constant 0 : index
      %get3A_280 = memref.load %arg4[%get3A_279] : memref<17xi32, #tpu.memory_space<smem>>
      %get3A_281 = arith.constant 1 : index
      %get3A_282 = memref.load %arg4[%get3A_281] : memref<17xi32, #tpu.memory_space<smem>>
      %sub3A_283 = arith.subi %get3A_282, %get3A_280 : i32
      %jit3A_284 = arith.constant 16 : i32
      %div3A_285 = arith.divsi %sub3A_283, %jit3A_284 : i32
      %sign3A_286 = arith.constant 0 : i32
      %sign3A_287 = arith.cmpi sgt, %sub3A_283, %sign3A_286 : i32
      %sign3A_288 = arith.extui %sign3A_287 : i1 to i32
      %sign3A_289 = arith.constant 0 : i32
      %sign3A_290 = arith.cmpi slt, %sub3A_283, %sign3A_289 : i32
      %sign3A_291 = arith.extui %sign3A_290 : i1 to i32
      %sign3A_292 = arith.subi %sign3A_288, %sign3A_291 : i32
      %sign3A_293 = arith.constant 0 : i32
      %sign3A_294 = arith.cmpi sgt, %jit3A_284, %sign3A_293 : i32
      %sign3A_295 = arith.extui %sign3A_294 : i1 to i32
      %sign3A_296 = arith.constant 0 : i32
      %sign3A_297 = arith.cmpi slt, %jit3A_284, %sign3A_296 : i32
      %sign3A_298 = arith.extui %sign3A_297 : i1 to i32
      %sign3A_299 = arith.subi %sign3A_295, %sign3A_298 : i32
      %ne3A_300 = arith.cmpi ne, %sign3A_292, %sign3A_299 : i32
      %rem3A_301 = arith.remsi %sub3A_283, %jit3A_284 : i32
      %ne3A_302 = arith.constant 0 : i32
      %ne3A_303 = arith.cmpi ne, %rem3A_301, %ne3A_302 : i32
      %and3A_304 = arith.andi %ne3A_300, %ne3A_303 : i1
      %sub3A_305 = arith.constant 1 : i32
      %sub3A_306 = arith.subi %div3A_285, %sub3A_305 : i32
      %select_n3A_307 = arith.select %and3A_304, %sub3A_306, %div3A_285 : i32
      %max3A_308 = arith.constant 1 : i32
      %max3A_309 = arith.maxsi %select_n3A_307, %max3A_308 : i32
      %mul3A_310 = arith.constant 1 : i32
      %mul3A_311 = arith.muli %max3A_309, %mul3A_310 : i32
      %add3A_312 = arith.addi %get3A_280, %mul3A_311 : i32
      %lt3A = arith.cmpi slt, %add3A_312, %get3A_282 : i32
      %get3A_313 = arith.constant 2 : index
      %get3A_314 = memref.load %arg4[%get3A_313] : memref<17xi32, #tpu.memory_space<smem>>
      %ge3A_315 = arith.constant 3355444 : i32
      %ge3A_316 = arith.cmpi sge, %get3A_314, %ge3A_315 : i32
      %and3A_317 = arith.andi %lt3A, %ge3A_316 : i1
      %max3A_318 = arith.maxsi %get3A_280, %add3A_312 : i32
      %select_n3A_319 = arith.select %and3A_317, %max3A_318, %get3A_280 : i32
      %mul3A_320 = arith.constant 2 : i32
      %mul3A_321 = arith.muli %max3A_309, %mul3A_320 : i32
      %add3A_322 = arith.addi %get3A_280, %mul3A_321 : i32
      %lt3A_323 = arith.cmpi slt, %add3A_322, %get3A_282 : i32
      %get3A_324 = arith.constant 3 : index
      %get3A_325 = memref.load %arg4[%get3A_324] : memref<17xi32, #tpu.memory_space<smem>>
      %ge3A_326 = arith.constant 3355444 : i32
      %ge3A_327 = arith.cmpi sge, %get3A_325, %ge3A_326 : i32
      %and3A_328 = arith.andi %lt3A_323, %ge3A_327 : i1
      %max3A_329 = arith.maxsi %select_n3A_319, %add3A_322 : i32
      %select_n3A_330 = arith.select %and3A_328, %max3A_329, %select_n3A_319 : i32
      %mul3A_331 = arith.constant 3 : i32
      %mul3A_332 = arith.muli %max3A_309, %mul3A_331 : i32
      %add3A_333 = arith.addi %get3A_280, %mul3A_332 : i32
      %lt3A_334 = arith.cmpi slt, %add3A_333, %get3A_282 : i32
      %get3A_335 = arith.constant 4 : index
      %get3A_336 = memref.load %arg4[%get3A_335] : memref<17xi32, #tpu.memory_space<smem>>
      %ge3A_337 = arith.constant 3355444 : i32
      %ge3A_338 = arith.cmpi sge, %get3A_336, %ge3A_337 : i32
      %and3A_339 = arith.andi %lt3A_334, %ge3A_338 : i1
      %max3A_340 = arith.maxsi %select_n3A_330, %add3A_333 : i32
      %select_n3A_341 = arith.select %and3A_339, %max3A_340, %select_n3A_330 : i32
      %mul3A_342 = arith.constant 4 : i32
      %mul3A_343 = arith.muli %max3A_309, %mul3A_342 : i32
      %add3A_344 = arith.addi %get3A_280, %mul3A_343 : i32
      %lt3A_345 = arith.cmpi slt, %add3A_344, %get3A_282 : i32
      %get3A_346 = arith.constant 5 : index
      %get3A_347 = memref.load %arg4[%get3A_346] : memref<17xi32, #tpu.memory_space<smem>>
      %ge3A_348 = arith.constant 3355444 : i32
      %ge3A_349 = arith.cmpi sge, %get3A_347, %ge3A_348 : i32
      %and3A_350 = arith.andi %lt3A_345, %ge3A_349 : i1
      %max3A_351 = arith.maxsi %select_n3A_341, %add3A_344 : i32
      %select_n3A_352 = arith.select %and3A_350, %max3A_351, %select_n3A_341 : i32
      %mul3A_353 = arith.constant 5 : i32
      %mul3A_354 = arith.muli %max3A_309, %mul3A_353 : i32
      %add3A_355 = arith.addi %get3A_280, %mul3A_354 : i32
      %lt3A_356 = arith.cmpi slt, %add3A_355, %get3A_282 : i32
      %get3A_357 = arith.constant 6 : index
      %get3A_358 = memref.load %arg4[%get3A_357] : memref<17xi32, #tpu.memory_space<smem>>
      %ge3A_359 = arith.constant 3355444 : i32
      %ge3A_360 = arith.cmpi sge, %get3A_358, %ge3A_359 : i32
      %and3A_361 = arith.andi %lt3A_356, %ge3A_360 : i1
      %max3A_362 = arith.maxsi %select_n3A_352, %add3A_355 : i32
      %select_n3A_363 = arith.select %and3A_361, %max3A_362, %select_n3A_352 : i32
      %mul3A_364 = arith.constant 6 : i32
      %mul3A_365 = arith.muli %max3A_309, %mul3A_364 : i32
      %add3A_366 = arith.addi %get3A_280, %mul3A_365 : i32
      %lt3A_367 = arith.cmpi slt, %add3A_366, %get3A_282 : i32
      %get3A_368 = arith.constant 7 : index
      %get3A_369 = memref.load %arg4[%get3A_368] : memref<17xi32, #tpu.memory_space<smem>>
      %ge3A_370 = arith.constant 3355444 : i32
      %ge3A_371 = arith.cmpi sge, %get3A_369, %ge3A_370 : i32
      %and3A_372 = arith.andi %lt3A_367, %ge3A_371 : i1
      %max3A_373 = arith.maxsi %select_n3A_363, %add3A_366 : i32
      %select_n3A_374 = arith.select %and3A_372, %max3A_373, %select_n3A_363 : i32
      %mul3A_375 = arith.constant 7 : i32
      %mul3A_376 = arith.muli %max3A_309, %mul3A_375 : i32
      %add3A_377 = arith.addi %get3A_280, %mul3A_376 : i32
      %lt3A_378 = arith.cmpi slt, %add3A_377, %get3A_282 : i32
      %get3A_379 = arith.constant 8 : index
      %get3A_380 = memref.load %arg4[%get3A_379] : memref<17xi32, #tpu.memory_space<smem>>
      %ge3A_381 = arith.constant 3355444 : i32
      %ge3A_382 = arith.cmpi sge, %get3A_380, %ge3A_381 : i32
      %and3A_383 = arith.andi %lt3A_378, %ge3A_382 : i1
      %max3A_384 = arith.maxsi %select_n3A_374, %add3A_377 : i32
      %select_n3A_385 = arith.select %and3A_383, %max3A_384, %select_n3A_374 : i32
      %mul3A_386 = arith.constant 8 : i32
      %mul3A_387 = arith.muli %max3A_309, %mul3A_386 : i32
      %add3A_388 = arith.addi %get3A_280, %mul3A_387 : i32
      %lt3A_389 = arith.cmpi slt, %add3A_388, %get3A_282 : i32
      %get3A_390 = arith.constant 9 : index
      %get3A_391 = memref.load %arg4[%get3A_390] : memref<17xi32, #tpu.memory_space<smem>>
      %ge3A_392 = arith.constant 3355444 : i32
      %ge3A_393 = arith.cmpi sge, %get3A_391, %ge3A_392 : i32
      %and3A_394 = arith.andi %lt3A_389, %ge3A_393 : i1
      %max3A_395 = arith.maxsi %select_n3A_385, %add3A_388 : i32
      %select_n3A_396 = arith.select %and3A_394, %max3A_395, %select_n3A_385 : i32
      %mul3A_397 = arith.constant 9 : i32
      %mul3A_398 = arith.muli %max3A_309, %mul3A_397 : i32
      %add3A_399 = arith.addi %get3A_280, %mul3A_398 : i32
      %lt3A_400 = arith.cmpi slt, %add3A_399, %get3A_282 : i32
      %get3A_401 = arith.constant 10 : index
      %get3A_402 = memref.load %arg4[%get3A_401] : memref<17xi32, #tpu.memory_space<smem>>
      %ge3A_403 = arith.constant 3355444 : i32
      %ge3A_404 = arith.cmpi sge, %get3A_402, %ge3A_403 : i32
      %and3A_405 = arith.andi %lt3A_400, %ge3A_404 : i1
      %max3A_406 = arith.maxsi %select_n3A_396, %add3A_399 : i32
      %select_n3A_407 = arith.select %and3A_405, %max3A_406, %select_n3A_396 : i32
      %mul3A_408 = arith.constant 10 : i32
      %mul3A_409 = arith.muli %max3A_309, %mul3A_408 : i32
      %add3A_410 = arith.addi %get3A_280, %mul3A_409 : i32
      %lt3A_411 = arith.cmpi slt, %add3A_410, %get3A_282 : i32
      %get3A_412 = arith.constant 11 : index
      %get3A_413 = memref.load %arg4[%get3A_412] : memref<17xi32, #tpu.memory_space<smem>>
      %ge3A_414 = arith.constant 3355444 : i32
      %ge3A_415 = arith.cmpi sge, %get3A_413, %ge3A_414 : i32
      %and3A_416 = arith.andi %lt3A_411, %ge3A_415 : i1
      %max3A_417 = arith.maxsi %select_n3A_407, %add3A_410 : i32
      %select_n3A_418 = arith.select %and3A_416, %max3A_417, %select_n3A_407 : i32
      %mul3A_419 = arith.constant 11 : i32
      %mul3A_420 = arith.muli %max3A_309, %mul3A_419 : i32
      %add3A_421 = arith.addi %get3A_280, %mul3A_420 : i32
      %lt3A_422 = arith.cmpi slt, %add3A_421, %get3A_282 : i32
      %get3A_423 = arith.constant 12 : index
      %get3A_424 = memref.load %arg4[%get3A_423] : memref<17xi32, #tpu.memory_space<smem>>
      %ge3A_425 = arith.constant 3355444 : i32
      %ge3A_426 = arith.cmpi sge, %get3A_424, %ge3A_425 : i32
      %and3A_427 = arith.andi %lt3A_422, %ge3A_426 : i1
      %max3A_428 = arith.maxsi %select_n3A_418, %add3A_421 : i32
      %select_n3A_429 = arith.select %and3A_427, %max3A_428, %select_n3A_418 : i32
      %mul3A_430 = arith.constant 12 : i32
      %mul3A_431 = arith.muli %max3A_309, %mul3A_430 : i32
      %add3A_432 = arith.addi %get3A_280, %mul3A_431 : i32
      %lt3A_433 = arith.cmpi slt, %add3A_432, %get3A_282 : i32
      %get3A_434 = arith.constant 13 : index
      %get3A_435 = memref.load %arg4[%get3A_434] : memref<17xi32, #tpu.memory_space<smem>>
      %ge3A_436 = arith.constant 3355444 : i32
      %ge3A_437 = arith.cmpi sge, %get3A_435, %ge3A_436 : i32
      %and3A_438 = arith.andi %lt3A_433, %ge3A_437 : i1
      %max3A_439 = arith.maxsi %select_n3A_429, %add3A_432 : i32
      %select_n3A_440 = arith.select %and3A_438, %max3A_439, %select_n3A_429 : i32
      %mul3A_441 = arith.constant 13 : i32
      %mul3A_442 = arith.muli %max3A_309, %mul3A_441 : i32
      %add3A_443 = arith.addi %get3A_280, %mul3A_442 : i32
      %lt3A_444 = arith.cmpi slt, %add3A_443, %get3A_282 : i32
      %get3A_445 = arith.constant 14 : index
      %get3A_446 = memref.load %arg4[%get3A_445] : memref<17xi32, #tpu.memory_space<smem>>
      %ge3A_447 = arith.constant 3355444 : i32
      %ge3A_448 = arith.cmpi sge, %get3A_446, %ge3A_447 : i32
      %and3A_449 = arith.andi %lt3A_444, %ge3A_448 : i1
      %max3A_450 = arith.maxsi %select_n3A_440, %add3A_443 : i32
      %select_n3A_451 = arith.select %and3A_449, %max3A_450, %select_n3A_440 : i32
      %mul3A_452 = arith.constant 14 : i32
      %mul3A_453 = arith.muli %max3A_309, %mul3A_452 : i32
      %add3A_454 = arith.addi %get3A_280, %mul3A_453 : i32
      %lt3A_455 = arith.cmpi slt, %add3A_454, %get3A_282 : i32
      %get3A_456 = arith.constant 15 : index
      %get3A_457 = memref.load %arg4[%get3A_456] : memref<17xi32, #tpu.memory_space<smem>>
      %ge3A_458 = arith.constant 3355444 : i32
      %ge3A_459 = arith.cmpi sge, %get3A_457, %ge3A_458 : i32
      %and3A_460 = arith.andi %lt3A_455, %ge3A_459 : i1
      %max3A_461 = arith.maxsi %select_n3A_451, %add3A_454 : i32
      %select_n3A_462 = arith.select %and3A_460, %max3A_461, %select_n3A_451 : i32
      %mul3A_463 = arith.constant 15 : i32
      %mul3A_464 = arith.muli %max3A_309, %mul3A_463 : i32
      %add3A_465 = arith.addi %get3A_280, %mul3A_464 : i32
      %lt3A_466 = arith.cmpi slt, %add3A_465, %get3A_282 : i32
      %get3A_467 = arith.constant 16 : index
      %get3A_468 = memref.load %arg4[%get3A_467] : memref<17xi32, #tpu.memory_space<smem>>
      %ge3A_469 = arith.constant 3355444 : i32
      %ge3A_470 = arith.cmpi sge, %get3A_468, %ge3A_469 : i32
      %and3A_471 = arith.andi %lt3A_466, %ge3A_470 : i1
      %max3A_472 = arith.maxsi %select_n3A_462, %add3A_465 : i32
      %select_n3A_473 = arith.select %and3A_471, %max3A_472, %select_n3A_462 : i32
      %swap3A_474 = arith.constant 0 : index
      %swap3A_475 = arith.constant 0 : index
      %swap3A_476 = memref.load %arg3[%swap3A_474, %swap3A_475] : memref<1x1xi32, #tpu.memory_space<smem>>
      memref.store %select_n3A_473, %arg3[%swap3A_474, %swap3A_475] : memref<1x1xi32, #tpu.memory_space<smem>>
    } else {
    }
    return
  }
  func.func @transform_0(%arg0: i32, %arg1: i32) -> (i32, i32) {
    %c0_i32 = arith.constant 0 : i32
    %c0_i32_0 = arith.constant 0 : i32
    return %arg1, %c0_i32 : i32, i32
  }
  func.func @transform_1(%arg0: i32, %arg1: i32) -> (i32, i32) {
    %c0_i32 = arith.constant 0 : i32
    %c0_i32_0 = arith.constant 0 : i32
    %c0_i32_1 = arith.constant 0 : i32
    return %c0_i32, %c0_i32_0 : i32, i32
  }
}

module attributes {stable_mosaic.version = 14 : i64} {
  func.func @_apply_kernel(%arg0: i32, %arg1: memref<128x4096xf32, #tpu.memory_space<vmem>>, %arg2: memref<128x4096xf32, #tpu.memory_space<vmem>>, %arg3: memref<128x4096xi32, #tpu.memory_space<vmem>>, %arg4: memref<128x4096xi32, #tpu.memory_space<vmem>>, %arg5: memref<1x1xi32, #tpu.memory_space<smem>>, %arg6: memref<128x4096xf32, #tpu.memory_space<vmem>>, %arg7: memref<1x1x128xi32, #tpu.memory_space<vmem>>, %arg8: memref<1x1x128xi32, #tpu.memory_space<vmem>>, %arg9: memref<1xi32, #tpu.memory_space<smem>>) attributes {dimension_semantics = [#tpu.dimension_semantics<arbitrary>], iteration_bounds = array<i64: 32>, scalar_prefetch = 0 : i64, scratch_operands = 1 : i64, tpu.core_type = #tpu.core_type<tc>, window_params = [{transform_indices = @transform_0, window_bounds = array<i64: 128, 4096>}, {transform_indices = @transform_1, window_bounds = array<i64: 128, 4096>}, {transform_indices = @transform_2, window_bounds = array<i64: 128, 4096>}, {transform_indices = @transform_3, window_bounds = array<i64: 128, 4096>}, {transform_indices = @transform_4, window_bounds = array<i64: 1, 1>}, {transform_indices = @transform_5, window_bounds = array<i64: 128, 4096>}, {transform_indices = @transform_6, window_bounds = array<i64: 1, 1, 128>}, {transform_indices = @transform_7, window_bounds = array<i64: 1, 1, 128>}]} {
    %eq3A = arith.constant 0 : i32
    %eq3A_0 = arith.cmpi eq, %arg0, %eq3A : i32
    %convert_element_type3A = arith.extui %eq3A_0 : i1 to i32
    %cond3A = arith.constant 0 : i32
    %cond3A_1 = arith.cmpi ne, %convert_element_type3A, %cond3A : i32
    scf.if %cond3A_1 {
      %swap3A_68 = arith.constant 0 : i32
      %swap3A_69 = arith.constant 0 : index
      %swap3A_70 = memref.load %arg9[%swap3A_69] : memref<1xi32, #tpu.memory_space<smem>>
      memref.store %swap3A_68, %arg9[%swap3A_69] : memref<1xi32, #tpu.memory_space<smem>>
    } else {
    }
    %get3A = arith.constant 0 : index
    %get3A_2 = arith.constant 0 : index
    %get3A_3 = vector.load %arg1[%get3A, %get3A_2] : memref<128x4096xf32, #tpu.memory_space<vmem>>, vector<128x4096xf32>
    %get3A_4 = arith.constant 0 : index
    %get3A_5 = arith.constant 0 : index
    %get3A_6 = vector.load %arg2[%get3A_4, %get3A_5] : memref<128x4096xf32, #tpu.memory_space<vmem>>, vector<128x4096xf32>
    %max3A = arith.constant 0.000000e+00 : f32
    %max3A_7 = vector.broadcast %max3A : f32 to vector<128x4096xf32>
    %max3A_8 = arith.maximumf %get3A_3, %max3A_7 : vector<128x4096xf32>
    %mul3A = arith.mulf %get3A_3, %get3A_6 : vector<128x4096xf32>
    %sub3A = arith.subf %max3A_8, %mul3A : vector<128x4096xf32>
    %abs3A = math.absf %get3A_3 : vector<128x4096xf32>
    %neg3A = arith.constant 0.000000e+00 : f32
    %neg3A_9 = vector.broadcast %neg3A : f32 to vector<128x4096xf32>
    %neg3A_10 = arith.subf %neg3A_9, %abs3A : vector<128x4096xf32>
    %exp3A = math.exp %neg3A_10 : vector<128x4096xf32>
    %log1p3A = math.log1p %exp3A : vector<128x4096xf32>
    %add3A = arith.addf %sub3A, %log1p3A : vector<128x4096xf32>
    %sub3A_11 = arith.constant 1.000000e+00 : f32
    %sub3A_12 = vector.broadcast %sub3A_11 : f32 to vector<128x4096xf32>
    %sub3A_13 = arith.subf %sub3A_12, %get3A_6 : vector<128x4096xf32>
    %max3A_14 = arith.constant 0.000000e+00 : f32
    %max3A_15 = vector.broadcast %max3A_14 : f32 to vector<128x4096xf32>
    %max3A_16 = arith.maximumf %get3A_3, %max3A_15 : vector<128x4096xf32>
    %mul3A_17 = arith.mulf %get3A_3, %sub3A_13 : vector<128x4096xf32>
    %sub3A_18 = arith.subf %max3A_16, %mul3A_17 : vector<128x4096xf32>
    %abs3A_19 = math.absf %get3A_3 : vector<128x4096xf32>
    %neg3A_20 = arith.constant 0.000000e+00 : f32
    %neg3A_21 = vector.broadcast %neg3A_20 : f32 to vector<128x4096xf32>
    %neg3A_22 = arith.subf %neg3A_21, %abs3A_19 : vector<128x4096xf32>
    %exp3A_23 = math.exp %neg3A_22 : vector<128x4096xf32>
    %log1p3A_24 = math.log1p %exp3A_23 : vector<128x4096xf32>
    %add3A_25 = arith.addf %sub3A_18, %log1p3A_24 : vector<128x4096xf32>
    %get3A_26 = arith.constant 0 : index
    %get3A_27 = arith.constant 0 : index
    %get3A_28 = vector.load %arg4[%get3A_26, %get3A_27] : memref<128x4096xi32, #tpu.memory_space<vmem>>, vector<128x4096xi32>
    %get3A_29 = arith.constant 0 : index
    %get3A_30 = arith.constant 0 : index
    %get3A_31 = memref.load %arg5[%get3A_29, %get3A_30] : memref<1x1xi32, #tpu.memory_space<smem>>
    %ge3A = vector.broadcast %get3A_31 : i32 to vector<128x4096xi32>
    %ge3A_32 = arith.cmpi sge, %get3A_28, %ge3A : vector<128x4096xi32>
    %select_n3A = arith.select %ge3A_32, %add3A_25, %add3A : vector<128x4096xi1>, vector<128x4096xf32>
    %swap3A = arith.constant 0 : index
    %swap3A_33 = arith.constant 0 : index
    %swap3A_34 = vector.load %arg6[%swap3A, %swap3A_33] : memref<128x4096xf32, #tpu.memory_space<vmem>>, vector<128x4096xf32>
    tpu.vector_store %arg6[%swap3A, %swap3A_33], %select_n3A {strides = array<i32>} : memref<128x4096xf32, #tpu.memory_space<vmem>>, vector<128x4096xf32>,
    %convert_element_type3A_35 = arith.extui %ge3A_32 : vector<128x4096xi1> to vector<128x4096xi32>
    %reduce_sum3A = arith.constant dense<0> : vector<128xi32>
    %reduce_sum3A_36 = vector.multi_reduction <add>, %convert_element_type3A_35, %reduce_sum3A [1] : vector<128x4096xi32> to vector<128xi32>
    %iota3A = tpu.iota {dimensions = array<i32: 0>} : vector<128x128xi32>
    %iota3A_37 = tpu.iota {dimensions = array<i32: 1>} : vector<128x128xi32>
    %lt3A = arith.cmpi slt, %iota3A_37, %iota3A : vector<128x128xi32>
    %convert_element_type3A_38 = arith.extui %lt3A : vector<128x128xi1> to vector<128x128xi32>
    %convert_element_type3A_39 = arith.sitofp %convert_element_type3A_38 : vector<128x128xi32> to vector<128x128xf32>
    %convert_element_type3A_40 = arith.sitofp %reduce_sum3A_36 : vector<128xi32> to vector<128xf32>
    %reshape3A = vector.shape_cast %convert_element_type3A_40 : vector<128xf32> to vector<128x1xf32>
    %dot_general3A = arith.constant dense<0.000000e+00> : vector<128x1xf32>
    %dot_general3A_41 = tpu.matmul %convert_element_type3A_39, %reshape3A, %dot_general3A {dimension_numbers = #tpu.dot_dimension_numbers<[1], [0], [0], [1], [0, 0, 1, 1], [], []>, transpose_lhs_hint = false} : vector<128x128xf32>, vector<128x1xf32>, vector<128x1xf32> -> vector<128x1xf32>
    %reshape3A_42 = vector.shape_cast %dot_general3A_41 : vector<128x1xf32> to vector<128xf32>
    %convert_element_type3A_43 = arith.fptosi %reshape3A_42 : vector<128xf32> to vector<128xi32>
    %get3A_44 = arith.constant 0 : index
    %get3A_45 = memref.load %arg9[%get3A_44] : memref<1xi32, #tpu.memory_space<smem>>
    %add3A_46 = vector.broadcast %get3A_45 : i32 to vector<128xi32>
    %add3A_47 = arith.addi %convert_element_type3A_43, %add3A_46 : vector<128xi32>
    %reshape3A_48 = vector.shape_cast %reduce_sum3A_36 : vector<128xi32> to vector<1x1x128xi32>
    %swap3A_49 = arith.constant 0 : index
    %swap3A_50 = arith.constant 0 : index
    %swap3A_51 = arith.constant 0 : index
    %swap3A_52 = vector.load %arg7[%swap3A_49, %swap3A_50, %swap3A_51] : memref<1x1x128xi32, #tpu.memory_space<vmem>>, vector<1x1x128xi32>
    tpu.vector_store %arg7[%swap3A_49, %swap3A_50, %swap3A_51], %reshape3A_48 {strides = array<i32>} : memref<1x1x128xi32, #tpu.memory_space<vmem>>, vector<1x1x128xi32>,
    %reshape3A_53 = vector.shape_cast %add3A_47 : vector<128xi32> to vector<1x1x128xi32>
    %swap3A_54 = arith.constant 0 : index
    %swap3A_55 = arith.constant 0 : index
    %swap3A_56 = arith.constant 0 : index
    %swap3A_57 = vector.load %arg8[%swap3A_54, %swap3A_55, %swap3A_56] : memref<1x1x128xi32, #tpu.memory_space<vmem>>, vector<1x1x128xi32>
    tpu.vector_store %arg8[%swap3A_54, %swap3A_55, %swap3A_56], %reshape3A_53 {strides = array<i32>} : memref<1x1x128xi32, #tpu.memory_space<vmem>>, vector<1x1x128xi32>,
    %get3A_58 = arith.constant 0 : index
    %get3A_59 = memref.load %arg9[%get3A_58] : memref<1xi32, #tpu.memory_space<smem>>
    %reduce_sum3A_60 = vector.shape_cast %reduce_sum3A_36 : vector<128xi32> to vector<1x128xi32>
    %reduce_sum3A_61 = arith.constant dense<0> : vector<1xi32>
    %reduce_sum3A_62 = vector.multi_reduction <add>, %reduce_sum3A_60, %reduce_sum3A_61 [1] : vector<1x128xi32> to vector<1xi32>
    %reduce_sum3A_63 = vector.shape_cast %reduce_sum3A_62 : vector<1xi32> to vector<1x1xi32>
    %reduce_sum3A_64 = vector.extract %reduce_sum3A_63[0, 0] : i32 from vector<1x1xi32>
    %add3A_65 = arith.addi %get3A_59, %reduce_sum3A_64 : i32
    %swap3A_66 = arith.constant 0 : index
    %swap3A_67 = memref.load %arg9[%swap3A_66] : memref<1xi32, #tpu.memory_space<smem>>
    memref.store %add3A_65, %arg9[%swap3A_66] : memref<1xi32, #tpu.memory_space<smem>>
    return
  }
  func.func @transform_0(%arg0: i32) -> (i32, i32) {
    %c0_i32 = arith.constant 0 : i32
    %c0_i32_0 = arith.constant 0 : i32
    return %arg0, %c0_i32 : i32, i32
  }
  func.func @transform_1(%arg0: i32) -> (i32, i32) {
    %c0_i32 = arith.constant 0 : i32
    %c0_i32_0 = arith.constant 0 : i32
    return %arg0, %c0_i32 : i32, i32
  }
  func.func @transform_2(%arg0: i32) -> (i32, i32) {
    %c0_i32 = arith.constant 0 : i32
    %c0_i32_0 = arith.constant 0 : i32
    return %arg0, %c0_i32 : i32, i32
  }
  func.func @transform_3(%arg0: i32) -> (i32, i32) {
    %c0_i32 = arith.constant 0 : i32
    %c0_i32_0 = arith.constant 0 : i32
    return %arg0, %c0_i32 : i32, i32
  }
  func.func @transform_4(%arg0: i32) -> (i32, i32) {
    %c0_i32 = arith.constant 0 : i32
    %c0_i32_0 = arith.constant 0 : i32
    %c0_i32_1 = arith.constant 0 : i32
    return %c0_i32, %c0_i32_0 : i32, i32
  }
  func.func @transform_5(%arg0: i32) -> (i32, i32) {
    %c0_i32 = arith.constant 0 : i32
    %c0_i32_0 = arith.constant 0 : i32
    return %arg0, %c0_i32 : i32, i32
  }
  func.func @transform_6(%arg0: i32) -> (i32, i32, i32) {
    %c0_i32 = arith.constant 0 : i32
    %c0_i32_0 = arith.constant 0 : i32
    %c0_i32_1 = arith.constant 0 : i32
    return %arg0, %c0_i32, %c0_i32_0 : i32, i32, i32
  }
  func.func @transform_7(%arg0: i32) -> (i32, i32, i32) {
    %c0_i32 = arith.constant 0 : i32
    %c0_i32_0 = arith.constant 0 : i32
    %c0_i32_1 = arith.constant 0 : i32
    return %arg0, %c0_i32, %c0_i32_0 : i32, i32, i32
  }
}

</mosaic_0001>

<sc_bundles>
// kernel: scatter_offload_async_start
scs
__scs_entry_jumppad:
0x0: {  	(pc) =	sbr.rel $0x88, $3  }
0x1: {  	(tag) =	ssettag $0x0;
	lr =	simm.s32 $0x1  }
0x2: {  	[smem:$0x3F9E] =	sst lr;
	_ =	strace $0xD0000000  }
0x3: {  	_ = 	snop  }
0x4: {  	_ = 	snop  }
0x5: {  	_ = 	snop  }
0x6: {  	_ = 	snop  }
0x7: {  	_ = 	snop  }
__scs_overlays_trampoline_lowered:
0x8: {  	[smem:$0x3FAD] =	sst s0  }
0x9: {  	[smem:$0x3FAE] =	sst s1  }
0xa: {  	[smem:$0x3FAF] =	sst s2  }
0xb: {  	[smem:$0x3FB0] =	sst s3  }
0xc: {  	[smem:$0x3FB1] =	sst s4  }
0xd: {  	[smem:$0x3FB2] =	sst s5  }
0xe: {  	[smem:$0x3FB3] =	sst s6  }
0xf: {  	[smem:$0x3FB4] =	sst s7  }
0x10: {  	[smem:$0x3FB5] =	sst s8  }
0x11: {  	[smem:$0x3FB6] =	sst s9;
	s0 =	simm.s32 @!p0 $0x0  }
0x12: {  	s1 =	sld [smem:$0x3F9C];
	s0 =	simm.s32 @p0 $0x1  }
0x13: {  	[smem:$0x3FB7] =	sst s0;
	s0 =	simm.s32 @!p1 $0x0  }
0x14: {  	s2 =	sld [smem:$0x3F9B];
	s0 =	simm.s32 @p1 $0x1  }
0x15: {  	[smem:$0x3FB8] =	sst s0;
	s0 =	simm.s32 @!p2 $0x0  }
0x16: {  	s3 =	sld [smem:$0x3FDB];
	s0 =	simm.s32 @p2 $0x1  }
0x17: {  	s4 =	simm.s32 $0x1BF5;
	[smem:$0x3FBA] =	sst s0  }
0x18: {  	s0 =	sld [smem:$0x3F9D];
	_ =	swait.ge [sflag:s4], $0x0  }
0x19: {  	s7 =	sld [smem:$0x3F9E]  }
0x1a: {  	s8 =	sadd.s32 $0xFFFFE003, lr  }
0x1b: {  	s9 =	sadd.s32 $0xFFFFFEF7, lr;
	s5 =	simm.s32 $0xFFFFFFFF;
	p2 =	slt.u32 s8, $0xFFFFF086  }
0x1c: {  	p1 =	slt.u32 s9, $0xF7A;
	s5 =	simm.s32 @!p2 $0x0  }
0x1d: {  	s5 =	simm.s32 @p1 $0x1;
	p0 =	seq.s32 s7, s2  }
0x1e: {  	s7 =	smul.u32 @!p0 $0xF7A, s2;
	p2 =	seq.s32 @!p0 s5, $0x0  }
0x1f: {  	s9 =	smul.u32 $0xF7A, s1;
	s8 =	simm.s32 @!p0 $0x1BF5;
	p2 =	por !p2, p0  }
0x20: {  	[sflag:s8] =	ssyncset.s32 @!p0 $0xFFFFF086;
	s6 =	sadd.s32 @!p0 s3, s7;
	s7 =	simm.s32 @!p0 $0x108  }
0x21: {  	s3 =	sadd.s32 s3, s9;
	s6 =	sadd.s32 @!p0 $0x88, s6;
	s7 =	simm.s32 @p2 $0x1082  }
0x22: {  	[simem:s7], [sflag:s8] =	dma.local @!p0 [hbm:s6], $0xF7A  }
0x23: {  	s9 =	sor.u32 $0xD0000000, s2;
	s6 =	simm.s32 $0x108;
	_ =	swait.ge @!p0 [sflag:s8], $0x0  }
0x24: {  	s3 =	sadd.s32 $0x88, s3;
	s6 =	simm.s32 @!p1 $0x1082;
	[sflag:s4] =	ssyncset.s32 $0xFFFFF086  }
0x25: {  	[simem:s6], [sflag:s4] =	dma.local [hbm:s3], $0xF7A  }
0x26: {  	[smem:$0x3F9E] =	sst s1;
	(tag) =	ssettag s2;
	_ =	strace s9  }
0x27: {  	s1 =	sld [smem:$0x3FAE]  }
0x28: {  	s2 =	sld [smem:$0x3FAF]  }
0x29: {  	s4 =	sld [smem:$0x3FB1]  }
0x2a: {  	p0 =	seq.s32 s5, $0x0;
	s5 =	sld [smem:$0x3FB2]  }
0x2b: {  	s6 =	sld [smem:$0x3FB3]  }
0x2c: {  	s7 =	sld [smem:$0x3FB4]  }
0x2d: {  	s3 =	simm.s32 $0x108;
	s8 =	sld [smem:$0x3FB5]  }
0x2e: {  	s3 =	simm.s32 @!p0 $0x1082;
	s9 =	sld [smem:$0x3FB6]  }
0x2f: {  	lr =	sadd.s32 s0, s3;
	s0 =	sld [smem:$0x3FAD]  }
0x30: {  	s3 =	sld [smem:$0x3FB0]  }
0x31: {  	[smem:$0x3FB9] =	sst s10  }
0x32: {  	s10 =	sld [smem:$0x3FB7];
	_ =	sdelay $0x3  }
0x33: {  	p0 =	seq.s32 s10, $0x1;
	s10 =	sld [smem:$0x3FB9];
	_ =	sdelay $0x3  }
0x34: {  	[smem:$0x3FB9] =	sst s10  }
0x35: {  	s10 =	sld [smem:$0x3FB8];
	_ =	sdelay $0x3  }
0x36: {  	p1 =	seq.s32 s10, $0x1;
	s10 =	sld [smem:$0x3FB9];
	_ =	sdelay $0x3  }
0x37: {  	[smem:$0x3FB9] =	sst s10  }
0x38: {  	s10 =	sld [smem:$0x3FBA]  }
0x39: {  	_ = 	snop;
	(pc) =	sbr.ind lr, $3  }
0x3a: {  	_ = 	snop  }
0x3b: {  	_ = 	snop  }
0x3c: {  	p2 =	seq.s32 s10, $0x1;
	s10 =	sld [smem:$0x3FB9]  }
0x3d: {  	_ =	shalt  }
0x3e: {  	_ =	shalt  }
0x3f: {  	_ =	shalt  }
0x40: {  	_ =	shalt  }
0x41: {  	_ =	shalt  }
0x42: {  	_ =	shalt  }
0x43: {  	_ =	shalt  }
0x44: {  	_ =	shalt  }
0x45: {  	_ =	shalt  }
0x46: {  	_ =	shalt  }
0x47: {  	_ =	shalt  }
0x48: {  	_ =	shalt  }
0x49: {  	_ =	shalt  }
0x4a: {  	_ =	shalt  }
0x4b: {  	_ =	shalt  }
0x4c: {  	_ =	shalt  }
0x4d: {  	_ =	shalt  }
0x4e: {  	_ =	shalt  }
0x4f: {  	_ =	shalt  }
0x50: {  	_ =	shalt  }
0x51: {  	_ =	shalt  }
0x52: {  	_ =	shalt  }
0x53: {  	_ =	shalt  }
0x54: {  	_ =	shalt  }
0x55: {  	_ =	shalt  }
0x56: {  	_ =	shalt  }
0x57: {  	_ =	shalt  }
0x58: {  	_ =	shalt  }
0x59: {  	_ =	shalt  }
0x5a: {  	_ =	shalt  }
0x5b: {  	_ =	shalt  }
0x5c: {  	_ =	shalt  }
0x5d: {  	_ =	shalt  }
0x5e: {  	_ =	shalt  }
0x5f: {  	_ =	shalt  }
0x60: {  	_ =	shalt  }
0x61: {  	_ =	shalt  }
0x62: {  	_ =	shalt  }
0x63: {  	_ =	shalt  }
0x64: {  	_ =	shalt  }
0x65: {  	_ =	shalt  }
0x66: {  	_ =	shalt  }
0x67: {  	_ =	shalt  }
0x68: {  	_ =	shalt  }
0x69: {  	_ =	shalt  }
0x6a: {  	_ =	shalt  }
0x6b: {  	_ =	shalt  }
0x6c: {  	_ =	shalt  }
0x6d: {  	_ =	shalt  }
0x6e: {  	_ =	shalt  }
0x6f: {  	_ =	shalt  }
0x70: {  	_ =	shalt  }
0x71: {  	_ =	shalt  }
0x72: {  	_ =	shalt  }
0x73: {  	_ =	shalt  }
0x74: {  	_ =	shalt  }
0x75: {  	_ =	shalt  }
0x76: {  	_ =	shalt  }
0x77: {  	_ =	shalt  }
0x78: {  	_ =	shalt  }
0x79: {  	_ =	shalt  }
0x7a: {  	_ =	shalt  }
0x7b: {  	_ =	shalt  }
0x7c: {  	_ =	shalt  }
0x7d: {  	_ =	shalt  }
0x7e: {  	_ =	shalt  }
0x7f: {  	_ =	shalt  }
0x80: {  	_ =	shalt  }
0x81: {  	_ =	shalt  }
0x82: {  	_ =	shalt  }
0x83: {  	_ =	shalt  }
0x84: {  	_ =	shalt  }
0x85: {  	_ =	shalt  }
0x86: {  	_ =	shalt  }
0x87: {  	_ =	shalt  }
.Lfunc_end0:
.L_simem_size_0:
called_computation_lowered:
.L_overlay_start_0:
0x88: {  	s2 =	sld [smem:$0x3FD9]  }
0x89: {  	s3 =	sld [smem:$0x3FFE];
	_ =	sdelay $0x1  }
0x8a: {  	s1 =	srdreg.scid  }
0x8b: {  	s0 =	sand.u32 $0x1, s1  }
0x8c: {  	s14 =	sshll.u32 s0, $0xA;
	s2 =	sadd.s32 s3, s2  }
0x8d: {  	s2 =	sadd.s32 s2, s14  }
0x8e: {  	[smem:$0x3FC5] =	sst s2  }
0x8f: {  	_ = 	snop  }
0x90: {  	s2 =	sld [smem:$0x3FD0];
	_ =	sdelay $0x2  }
0x91: {  	s15 =	simm.s32 $0xA;
	s4 =	simm.s32 $0x10  }
0x92: {  	[smem:s4], [sflag:s15] =	dma.local [hbm:s2], $0x1  }
0x93: {  	_ =	swait.eq [sflag:s15], $0x1  }
0x94: {  	[sflag:s15] =	ssyncset.done $0x0  }
0x95: {  	[sflag:s15] =	ssyncadd.s32 $0xFFFFFFFF  }
0x96: {  	s16 =	sld [smem:$0x11];
	(tm) =	ssettm $0x1  }
0x97: {  	s17 =	sld [smem:$0x3FFB];
	_ =	sdelay $0x3  }
0x98: {  	_ =	strace s17  }
0x99: {  	s3 =	sld [smem:$0x3FFC];
	_ =	sdelay $0x3  }
0x9a: {  	_ =	strace s3  }
0x9b: {  	s3 =	sld [smem:$0x3FFD];
	_ =	sdelay $0x3  }
0x9c: {  	_ =	strace s3  }
0x9d: {  	_ =	strace $0x8FFFFFFF  }
0x9e: {  	s18 =	sld [smem:$0x3FDB];
	_ =	sdelay $0x1  }
0x9f: {  	s19 =	simm.s32 $_scs_section_size  }
0xa0: {  	s5 =	simm.s32 $_size__tile_overlayer_lowered;
	s6 =	simm.s32 $_tile_overlayer_lowered  }
0xa1: {  	s22 =	simm.s32 $0x1BFF;
	s21 =	sshll.u32 s6, $0x1;
	s3 =	sadd.s32 s19, s18  }
0xa2: {  	s7 =	simm.s32 $0x0;
	s20 =	sshll.u32 s5, $0x1;
	s5 =	sadd.s32 s21, s3  }
0xa3: {  	[timem:s7], [sflag:s22] =	dma.local [hbm:s5], s20  }
0xa4: {  	_ =	swait.ge [sflag:s22], s20  }
0xa5: {  	s4 =	ssub.s32 $0x0, s20;
	[sflag:s22] =	ssyncset.done $0x0  }
0xa6: {  	[sflag:s22] =	ssyncadd.s32 s4;
	_ =	sdelay $0x1  }
0xa7: {  	s23 =	simm.s32 $0x1B8B  }
0xa8: {  	_ =	swait.ge [sflag:s23], $0x1  }
0xa9: {  	[sflag:s23] =	ssyncset.done $0x0  }
0xaa: {  	s25 =	simm.s32 $0x1B8E;
	s24 =	sld [smem:$0x3FFE];
	[sflag:s23] =	ssyncadd.s32 $0xFFFFFFFF  }
0xab: {  	s26 =	simm.s32 $execute0_lowered;
	[smem:$0x3FD2] =	sst s25  }
0xac: {  	s5 =	sshll.u32 s26, $0x1;
	_ =	strace $0x8000004C;
	[dreg:$0x1] =	wrdreg $0xFFFFFFFF  }
0xad: {  	s28 =	simm.s32 $_size_execute0_lowered;
	s3 =	sadd.s32 s3, s5;
	[dreg:$0x0] =	wrdreg $0x0  }
0xae: {  	s5 =	sshll.u32 s28, $0x1;
	[dreg:$0x2] =	wrdreg s3  }
0xaf: {  	[dreg:$0x3] =	wrdreg s5  }
0xb0: {  	[dreg:$0x4] =	wrdreg $0xC0  }
0xb1: {  	_ =	task [dreg:s7], $0x5FFFF  }
0xb2: {  	[dreg:$0x1] =	wrdreg $0xFFFFFFFF  }
0xb3: {  	[dreg:$0x0] =	wrdreg $0x60  }
0xb4: {  	[dreg:$0x2] =	wrdreg s16  }
0xb5: {  	[dreg:$0x3] =	wrdreg s24  }
0xb6: {  	[dreg:$0x4] =	wrdreg s1  }
0xb7: {  	[dreg:$0x5] =	wrdreg $0x9  }
0xb8: {  	_ =	task.clear_ibuf [dreg:s7], $0x6FFFF;
	_ =	strace $0x9000004C  }
0xb9: {  	s29 =	simm.s32 $0x9;
	_ =	strace $0x8000004E  }
0xba: {  	_ =	swait.ge [sflag:s29], $0x1  }
0xbb: {  	[sflag:s29] =	ssyncadd.s32 $0xFFFFFFFF  }
0xbc: {  	_ =	strace $0x9000004E  }
0xbd: {  	_ =	sfence  }
0xbe: {  	s30 =	sld [smem:$0x0];
	_ =	sdelay $0x2  }
0xbf: {  	s31 =	sshll.u32 s1, $0xD;
	s1 =	sshrl.u32 s1, $0x2  }
0xc0: {  	s3 =	sand.u32 $0x4000, s31;
	s1 =	sadd.s32 s1, s30  }
0xc1: {  	s0 =	sor.u32 s3, s0;
	s1 =	sshll.u32 s1, $0x11  }
0xc2: {  	s0 =	sor.u32 s1, s0  }
0xc3: {  	s0 =	sadd.s32 $0x8F2B, s0  }
0xc4: {  	[sflag:s0] =	ssyncadd.remote.s32 $0x1  }
0xc5: {  	_ =	sfence.sel $0xFFFF  }
0xc6: {  	[dreg:$0x0] =	wrdreg $0xFFFFFFFF;
	(pc) =	sbr.abs _section_cstart, $3  }
0xc7: {  	[dreg:$0x1] =	wrdreg $0xFFFFFFFF  }
0xc8: {  	_ =	task.clear_ibuf [dreg:s7], $0x2FFFF;
	_ =	strace $0x9FFFFFFF  }
0xc9: {  	(tm) =	ssettm $0x7FFFFFFF  }
tec
execute0_lowered:
.L_overlay_start_1:
0x0: {  	(tag) =	ssettag $0x1  }
0x1: {  	s1 =	rddreg [dreg:$0x0]  }
0x2: {  	s4 =	rddreg [dreg:$0x1]  }
0x3: {  	s2 =	rddreg [dreg:$0x2]  }
0x4: {  	s0 =	rddreg [dreg:$0x3];
	_ =	strace $0x8000004D;
	s2 =	sand.u32 $0x1, s2  }
0x5: {  	s8 =	simm.s32 $0x199A00;
	s5 =	stileid.u32;
	p0 =	seq.s32 s2, $0x1  }
0x6: {  	s31 =	simm.s32 $0x3E;
	s8 =	simm.s32 @!p0 $0x0;
	p0 =	sne.s32 s5, $0x0  }
0x7: {  	[sflag:s31] =	ssyncpa.u1 $0x0;
	s3 =	sshrl.u32 @!p0 s8, $0x3  }
0x8: {  	s6 =	simm.s32 @!p0 $0x0;
	s1 =	sadd.s32 @!p0 s3, s1;
	s3 =	simm.s32 @!p0 $0x1C3E  }
0x9: {  	[spmem:s6], [sflag:s3] =	dma.local @!p0 [hbm:s1], $0x33340  }
0xa: {  	s3 =	simm.s32 @!p0 $0x3E  }
0xb: {  	_ =	swait.ge @!p0 [sflag:s3], $0x33340  }
0xc: {  	s7 =	simm.s32 $0x2;
	s2 =	simm.s32 $0x1;
	[sflag:s3] =	ssyncset.done @!p0 $0x0  }
.Ltmp0:
0xd: {  	s5 =	sshll.u32 s5, $0x14;
	[sflag:s3] =	ssyncadd.s32 @!p0 $0xFFFCCCC0;
	(pc) =	sbr.rel .LBB2_1-.Ltmp0, $4  }
0xe: {  	s9 =	sadd.s32 $0x199A00, s8;
	v0 =	vmov s8;
	s8 =	simm.s32 $0x0;
	[bflag:$0x0] =	sbarrier.arrive $0xFFFF  }
0xf: {  	s10 =	smov.u32 s5;
	v1 =	vmov s9;
	s9 =	simm.s32 $0x0;
	[sflag:s31] =	ssyncpa.u1 $0x1  }
0x10: {  	s6 =	sadd.s32 $0x100000, s5;
	s3 =	sadd.s32 $0x400400, s4;
	[sflag:s2] =	ssyncpa.u1 $0x0  }
0x11: {  	vm0 =	vmmov $0xffff;
	s4 =	sadd.s32 $0x200400, s4;
	(ifvalue) =	ssetifvalue $0x199A00;
	[sflag:s7] =	ssyncpa.u1 $0x0  }
.LBB2_5:
0x12: {  	s9 =	sadd.s32 $0x1, s9  }
0x13: {  	p2 =	sne.s32 s9, $0x101  }
.Ltmp1:
0x14: {  	_ = 	snop;
	(pc) =	sbr.rel @!p2 .LBB2_6-.Ltmp1, $4  }
0x15: {  	_ = 	snop  }
0x16: {  	s11 =	sadd.s32 $0x1000, s10  }
0x17: {  	s10 =	smov.u32 s5;
	p1 =	slt.s32 s11, s6  }
0x18: {  	s10 =	smov.u32 @p1 s11  }
.LBB2_1:
0x19: {  	p1 =	seq.s32 s9, $0x100  }
0x1a: {  	s11 =	sshll.u32 @!p1 s9, $0xC;
	p2 =	seq.s32 @!p1 s9, $0x0  }
0x1b: {  	s11 =	sand.u32 @!p1 $0x1000, s11;
	p2 =	por p1, !p2  }
.Ltmp2:
0x1c: {  	s13 =	sshrl.u32 @!p1 s10, $0x3;
	s12 =	sxor.u32 @!p1 $0x1000, s11;
	(pc) =	sbr.rel @!p2 .LBB2_5-.Ltmp2, $4  }
0x1d: {  	s16 =	sand.u32 @!p1 $0x7, s10;
	s14 =	sadd.s32 @!p1 s3, s13;
	s15 =	sadd.s32 @!p1 $0x199A0, s12  }
0x1e: {  	[tilespmem:s15], [sflag:$0x2] =	stream.linear.gather @!p1 [hbm4b:s14+s16], $0x1000, $0x38;
	[tilespmem:$0x1D9A0] =	vst v63  }
0x1f: {  	s13 =	sadd.s32 @!p1 s4, s13;
	s12 =	sadd.s32 @!p1 $0x1B9A0, s12  }
0x20: {  	[tilespmem:s12], [sflag:$0x2] =	stream.linear.gather @!p1 [hbm4b:s13+s16], $0x1000, $0x38;
	[tilespmem:$0x1D9A0] =	vst v63  }
0x21: {  	_ =	swait.ge [sflag:s7], $0x2000  }
0x22: {  	s11 =	simm.s32 @p1 $0x0;
	[sflag:s7] =	ssyncset.done $0x0  }
0x23: {  	s13 =	sadd.s32 $0x199A0, s11;
	[sflag:s7] =	ssyncadd.s32 $0xFFFFE000  }
0x24: {  	v2 =	vld.msk [tilespmem:s13+$0x0 ss:$0x1], $0xffff;
	_ =	sdelay $0x4  }
0x25: {  	vm1 =	vge.s32 v2, v0;
	vm2 =	vlt.s32 v2, v1  }
0x26: {  	v2 =	vsub.s32 v2, v0;
	vm1 =	vmand vm1, vm2  }
0x27: {  	v2 =	vnsel vm1, $0x199A00, v2;
	_ =	sdelay $0x3  }
0x28: {  	s12 =	simm.s32 $0x0;
	s11 =	sadd.s32 $0x1B9A0, s11;
	s13 =	sadd.s32 $0x10, s13  }
0x29: {  	[spmem:s8] =	stream.indirect_vreg.scatter.add.s32 [tilespmem:s11], [sflag:$0x1], $0x1, v2, vm0, $0x4038;
	[tilespmem:$0x1D9A0] =	vst v63  }
.LBB2_3:
0x2a: {  	v2 =	vld.msk [tilespmem:s13+$0x0 ss:$0x1], $0xffff;
	s12 =	sadd.s32 $0x10, s12  }
0x2b: {  	p1 =	slt.u32 s12, $0xFF0;
	_ =	sdelay $0x4  }
0x2c: {  	vm1 =	vge.s32 v2, v0;
	vm2 =	vlt.s32 v2, v1  }
0x2d: {  	v2 =	vsub.s32 v2, v0;
	vm1 =	vmand vm1, vm2  }
0x2e: {  	v2 =	vnsel vm1, $0x199A00, v2  }
.Ltmp3:
0x2f: {  	(pc) =	sbr.rel @p1 .LBB2_3-.Ltmp3, $3  }
0x30: {  	_ =	sdelay $0x1  }
0x31: {  	s13 =	sadd.s32 $0x10, s13;
	s11 =	sadd.s32 $0x10, s11  }
0x32: {  	[spmem:s8] =	stream.indirect_vreg.scatter.add.s32 [tilespmem:s11], [sflag:$0x1], $0x1, v2, vm0, $0x4038;
	[tilespmem:$0x1D9A0] =	vst v63  }
.Ltmp4:
0x33: {  	(pc) =	sbr.rel .LBB2_5-.Ltmp4, $4  }
0x34: {  	_ = 	snop  }
0x35: {  	_ =	swait.ge [sflag:s2], $0x1000  }
0x36: {  	[sflag:s2] =	ssyncset.done $0x0  }
0x37: {  	[sflag:s2] =	ssyncadd.s32 $0xFFFFF000  }
.LBB2_6:
0x38: {  	_ =	sfence.sel $0x180000  }
0x39: {  	s2 =	simm.s32 $0x2;
	[bflag:$0x0] =	sbarrier.arrive $0xFFFF  }
0x3a: {  	s30 =	simm.s32 $0x1;
	[sflag:s2] =	ssyncpa.u1 $0x1  }
0x3b: {  	[sflag:s30] =	ssyncpa.u1 $0x1  }
0x3c: {  	_ =	sfence.stream.spmem  }
0x3d: {  	s31 =	simm.s32 $0x3D;
	[bflag:$0x0] =	sbarrier.arrive $0xFFFF  }
0x3e: {  	s2 =	simm.s32 @p0 $0x3D;
	[sflag:s31] =	ssyncpa.u1 $0x0  }
0x3f: {  	[sflag:s2] =	ssyncpa.u1 @p0 $0x1  }
0x40: {  	[bflag:$0x0] =	sbarrier.arrive @p0 $0xFFFF  }
0x41: {  	_ =	strace @p0 $0x9000004D  }
0x42: {  	s3 =	simm.s32 @!p0 $0x1C3D;
	s2 =	simm.s32 @!p0 $0x0;
	[bflag:$0x2] =	sbarrier.arrive @p0 $0xFFFF  }
0x43: {  	[hbm:s1], [sflag:s3] =	dma.local @!p0 [spmem:s2], $0x33340  }
0x44: {  	s1 =	simm.s32 @!p0 $0x3D  }
0x45: {  	_ =	swait.ge @!p0 [sflag:s1], $0x33340  }
0x46: {  	[sflag:s1] =	ssyncset.done @!p0 $0x0  }
0x47: {  	[sflag:s1] =	ssyncadd.s32 @!p0 $0xFFFCCCC0  }
0x48: {  	[sflag:s1] =	ssyncpa.u1 @!p0 $0x1  }
0x49: {  	[bflag:$0x0] =	sbarrier.arrive @!p0 $0xFFFF  }
0x4a: {  	_ =	strace @!p0 $0x9000004D  }
0x4b: {  	s0 =	sadd.s32 @!p0 $0x100000, s0;
	[bflag:$0x2] =	sbarrier.arrive @!p0 $0xFFFF  }
0x4c: {  	[sflag:s0] =	ssyncadd.tile.s32 @!p0 $0x1;
	_ =	shalt  }
.Lfunc_end2:
_tile_overlayer_lowered:
.L_overlay_start_2:
0x4d: {  	(tag) =	ssettag $0x2  }
0x4e: {  	s0 =	rddreg [dreg:$0x0];
	s2 =	stileid.u32  }
0x4f: {  	s1 =	rddreg [dreg:$0x1];
	p0 =	sne.s32 s2, $0x0  }
0x50: {  	s3 =	rddreg [dreg:$0x2];
	[bflag:$0x3] =	sbarrier.arrive $0xFFFF;
	s2 =	simm.s32 @!p0 $0x1C01  }
0x51: {  	[timem:s3], [sflag:s2] =	dma.local @!p0 [hbm:s0], s1  }
0x52: {  	s0 =	simm.s32 @!p0 $0x1  }
0x53: {  	_ =	swait.ge @!p0 [sflag:s0], s1  }
0x54: {  	s1 =	ssub.s32 @!p0 $0x0, s1;
	[sflag:s0] =	ssyncset.done @!p0 $0x0  }
0x55: {  	[sflag:s0] =	ssyncadd.s32 @!p0 s1  }
0x56: {  	[bflag:$0x3] =	sbarrier.arrive $0xFFFF  }
0x57: {  	_ =	shalt  }

// kernel: sparse-core-data-format-call.1.cloned.1.call-start
scs
called_computation.2_lowered:
.L_overlay_start_0:
0x0: {  	s1 =	sld [smem:$0x3FD9]  }
0x1: {  	s2 =	sld [smem:$0x3FFE];
	_ =	sdelay $0x1  }
0x2: {  	s3 =	srdreg.scid  }
0x3: {  	s0 =	sand.u32 $0x1, s3  }
0x4: {  	s17 =	sshll.u32 s0, $0xA;
	s1 =	sadd.s32 s2, s1  }
0x5: {  	s1 =	sadd.s32 s1, s17  }
0x6: {  	[smem:$0x3FC5] =	sst s1  }
0x7: {  	_ = 	snop  }
0x8: {  	(tm) =	ssettm $0x1  }
0x9: {  	s18 =	sld [smem:$0x3FFB];
	_ =	sdelay $0x3  }
0xa: {  	_ =	strace s18  }
0xb: {  	s1 =	sld [smem:$0x3FFC];
	_ =	sdelay $0x3  }
0xc: {  	_ =	strace s1  }
0xd: {  	s1 =	sld [smem:$0x3FFD];
	_ =	sdelay $0x3  }
0xe: {  	_ =	strace s1  }
0xf: {  	_ =	strace $0x8FFFFFFF  }
0x10: {  	s19 =	sld [smem:$0x3FDB];
	_ =	sdelay $0x1  }
0x11: {  	s20 =	simm.s32 $_scs_section_size  }
0x12: {  	s4 =	simm.s32 $_size__tile_overlayer_lowered;
	s5 =	simm.s32 $_tile_overlayer_lowered  }
0x13: {  	s23 =	simm.s32 $0x1BFF;
	s22 =	sshll.u32 s5, $0x1;
	s1 =	sadd.s32 s20, s19  }
0x14: {  	s6 =	simm.s32 $0x0;
	s21 =	sshll.u32 s4, $0x1;
	s4 =	sadd.s32 s22, s1  }
0x15: {  	[timem:s6], [sflag:s23] =	dma.local [hbm:s4], s21  }
0x16: {  	_ =	swait.ge [sflag:s23], s21  }
0x17: {  	s2 =	ssub.s32 $0x0, s21;
	[sflag:s23] =	ssyncset.done $0x0  }
0x18: {  	[sflag:s23] =	ssyncadd.s32 s2;
	_ =	sdelay $0x1  }
0x19: {  	s24 =	simm.s32 $0x1B8B  }
0x1a: {  	_ =	swait.ge [sflag:s24], $0x1  }
0x1b: {  	[sflag:s24] =	ssyncset.done $0x0  }
0x1c: {  	s26 =	simm.s32 $0x1B8E;
	s25 =	sld [smem:$0x3FFE];
	[sflag:s24] =	ssyncadd.s32 $0xFFFFFFFF  }
0x1d: {  	s27 =	simm.s32 $execute0_lowered;
	[smem:$0x3FD2] =	sst s26  }
0x1e: {  	s4 =	sshll.u32 s27, $0x1;
	_ =	strace $0x80000046;
	[dreg:$0x1] =	wrdreg $0xFFFFFFFF  }
0x1f: {  	s28 =	simm.s32 $_size_execute0_lowered;
	s1 =	sadd.s32 s1, s4;
	[dreg:$0x0] =	wrdreg $0x0  }
0x20: {  	s4 =	sshll.u32 s28, $0x1;
	[dreg:$0x2] =	wrdreg s1  }
0x21: {  	[dreg:$0x3] =	wrdreg s4  }
0x22: {  	[dreg:$0x4] =	wrdreg $0xC0  }
0x23: {  	_ =	task [dreg:s6], $0x5FFFF  }
0x24: {  	[dreg:$0x1] =	wrdreg $0xFFFFFFFF  }
0x25: {  	[dreg:$0x0] =	wrdreg $0x60  }
0x26: {  	[dreg:$0x2] =	wrdreg s25  }
0x27: {  	[dreg:$0x3] =	wrdreg $0x9  }
0x28: {  	_ =	task.clear_ibuf [dreg:s6], $0x4FFFF;
	_ =	strace $0x90000046  }
0x29: {  	s29 =	simm.s32 $0x9;
	_ =	strace $0x80000048  }
0x2a: {  	_ =	swait.ge [sflag:s29], $0x1  }
0x2b: {  	[sflag:s29] =	ssyncadd.s32 $0xFFFFFFFF  }
0x2c: {  	_ =	strace $0x90000048  }
0x2d: {  	_ =	sfence  }
0x2e: {  	s30 =	sld [smem:$0x0];
	_ =	sdelay $0x2  }
0x2f: {  	s31 =	sshll.u32 s3, $0xD;
	s3 =	sshrl.u32 s3, $0x2  }
0x30: {  	s2 =	sand.u32 $0x4000, s31;
	s1 =	sadd.s32 s3, s30  }
0x31: {  	s0 =	sor.u32 s2, s0;
	s1 =	sshll.u32 s1, $0x11  }
0x32: {  	s0 =	sor.u32 s1, s0  }
0x33: {  	s0 =	sadd.s32 $0x8F2B, s0  }
0x34: {  	[sflag:s0] =	ssyncadd.remote.s32 $0x1  }
0x35: {  	_ =	sfence.sel $0xFFFF  }
0x36: {  	[dreg:$0x0] =	wrdreg $0xFFFFFFFF;
	(pc) =	sbr.abs _section_cstart, $3  }
0x37: {  	[dreg:$0x1] =	wrdreg $0xFFFFFFFF  }
0x38: {  	_ =	task.clear_ibuf [dreg:s6], $0x2FFFF;
	_ =	strace $0x9FFFFFFF  }
0x39: {  	(tm) =	ssettm $0x7FFFFFFF  }
tec
execute0_lowered:
.L_overlay_start_1:
0x0: {  	(tag) =	ssettag $0x1  }
0x1: {  	s0 =	srdreg.scid  }
0x2: {  	s1 =	sshll.u32 s0, $0x4  }
0x3: {  	s4 =	rddreg [dreg:$0x0];
	s0 =	stileid.u32;
	s1 =	sand.u32 $0x10, s1  }
0x4: {  	s7 =	simm.s32 $0x1;
	s8 =	simm.s32 $0x2;
	s2 =	sor.u32 s0, s1  }
0x5: {  	s11 =	simm.s32 $0x0;
	s3 =	sadd.s32 $0x200400, s4;
	s2 =	sshll.u32 s2, $0x7  }
0x6: {  	s10 =	simm.s32 $0x0;
	s4 =	sadd.s32 $0x400400, s4;
	s6 =	ssub.s32 $0x20000, s2  }
.Ltmp0:
0x7: {  	s1 =	rddreg [dreg:$0x1];
	s5 =	sand.u32 $0xF80, s6;
	(pc) =	sbr.rel .LBB1_1-.Ltmp0, $4  }
0x8: {  	_ =	strace $0x80000047;
	s9 =	smov.u32 s2;
	p0 =	sne.s32 s5, $0x0  }
0x9: {  	s6 =	sshrl.u32 s6, $0xC;
	s5 =	simm.s32 $0x1;
	s7 =	simm.s32 @!p0 $0x0  }
0xa: {  	[sflag:s5] =	ssyncpa.u1 $0x0;
	p0 =	por $0x0, $0x0;
	s6 =	sadd.s32 s7, s6  }
0xb: {  	[sflag:s8] =	ssyncpa.u1 $0x0;
	s8 =	simm.s32 $0x100000;
	s7 =	sadd.s32 $0x1, s6  }
.LBB1_4:
0xc: {  	v5 =	vld [tilespmem:s15+$0xFFFFFFD0];
	[tilespmem:s14+$0x2040 ss:$0x81] =	vst.msk $0xffff, v1  }
0xd: {  	v58 =	vld [tilespmem:s15+$0xFFFFFFE0];
	[tilespmem:s14+$0x2850 ss:$0x81] =	vst.msk $0xffff, v2  }
0xe: {  	s16 =	sshra.s32 s16, $0x2;
	v59 =	vld [tilespmem:s15+$0xFFFFFFF0];
	[tilespmem:s14+$0x3060 ss:$0x81] =	vst.msk $0xffff, v3  }
0xf: {  	v60 =	vld [tilespmem:s15+$0x0];
	[tilespmem:s14+$0x0 ss:$0x81] =	vst.msk $0xffff, v0;
	s13 =	sadd.s32 s16, s13  }
0x10: {  	v61 =	vld [tilespmem:s15+$0x10];
	[tilespmem:s13+$0x3870 ss:$0x81] =	vst.msk $0xffff, v4  }
0x11: {  	v62 =	vld [tilespmem:s15+$0x20];
	[tilespmem:s13+$0x810 ss:$0x81] =	vst.msk $0xffff, v5  }
0x12: {  	v63 =	vld [tilespmem:s15+$0xFFFFFFC0];
	[tilespmem:s13+$0x1020 ss:$0x81] =	vst.msk $0xffff, v58  }
0x13: {  	s27 =	sshll.u32 s11, $0x3;
	[tilespmem:s13+$0x1830 ss:$0x81] =	vst.msk $0xffff, v59  }
0x14: {  	s28 =	sand.u32 $0x78, s11;
	s14 =	sand.u32 $0x1FC00, s27;
	[tilespmem:s13+$0x2040 ss:$0x81] =	vst.msk $0xffff, v60  }
0x15: {  	s29 =	sand.u32 $0x1FC000, s11;
	s30 =	sand.u32 $0x7, s11;
	s14 =	sor.u32 s28, s14;
	[tilespmem:s13+$0x2850 ss:$0x81] =	vst.msk $0xffff, v61  }
0x16: {  	s15 =	sadd.s32 s4, s29;
	s11 =	sshll.u32 s30, $0x12;
	s14 =	sshrl.u32 s14, $0x3;
	[tilespmem:s13+$0x3060 ss:$0x81] =	vst.msk $0xffff, v62  }
0x17: {  	s11 =	sor.u32 $0x400, s11;
	s31 =	sadd.s32 s14, s15;
	[tilespmem:s13+$0x0 ss:$0x81] =	vst.msk $0xffff, v63  }
0x18: {  	[hbm4b:s31+s11] =	stream.strided.scatter [tilespmem:s12], [sflag:$0x2], $0x4000, s8, s11, $0x20;
	[tilespmem:$0x10100] =	vst v63  }
.LBB1_5:
0x19: {  	s13 =	sadd.s32 $0x1000, s9  }
0x1a: {  	p2 =	sgt.s32 s13, $0x1FFFF  }
0x1b: {  	s13 =	smov.u32 @p2 s2;
	p2 =	sne.s32 s10, s7  }
.Ltmp1:
0x1c: {  	p1 =	slt.u32 s10, $0x2;
	(pc) =	sbr.rel @!p2 .LBB1_6-.Ltmp1, $4  }
0x1d: {  	s12 =	simm.s32 @!p1 $0x2  }
0x1e: {  	s14 =	sadd.s32 $0x1, s10;
	_ =	swait.ge @!p1 [sflag:s12], $0x4000  }
0x1f: {  	s11 =	smov.u32 s9;
	p0 =	por !p0, !p0;
	[sflag:s12] =	ssyncset.done @!p1 $0x0  }
0x20: {  	s10 =	smov.u32 s14;
	s9 =	smov.u32 s13;
	[sflag:s12] =	ssyncadd.s32 @!p1 $0xFFFFC000  }
.LBB1_1:
0x21: {  	p1 =	sge.u32 s10, s6  }
0x22: {  	s12 =	sxor.u32 @!p1 $0xFFFFFFFF, s10;
	s13 =	sshll.u32 @!p1 s9, $0x4  }
0x23: {  	s31 =	sadd.s32 $0xFFFFFFFF, s10;
	s12 =	sshll.u32 @!p1 s12, $0xE;
	s13 =	sand.u32 @!p1 $0x1FFFF0, s13  }
0x24: {  	s14 =	simm.s32 @!p1 $0x0;
	s12 =	sand.u32 @!p1 $0x4000, s12;
	s13 =	sadd.s32 @!p1 s3, s13  }
0x25: {  	[tilespmem:s12], [sflag:$0x1] =	stream.linear.gather @!p1 [hbm4b:s13+s14], $0x4000, $0x38;
	[tilespmem:$0x10100] =	vst v63  }
0x26: {  	p1 =	sge.u32 s31, s6  }
.Ltmp2:
0x27: {  	_ = 	snop;
	(pc) =	sbr.rel @p1 .LBB1_5-.Ltmp2, $1  }
0x28: {  	_ =	sdelay $0x3  }
0x29: {  	s12 =	simm.s32 $0x1  }
0x2a: {  	_ =	swait.ge [sflag:s5], $0x4000;
	s12 =	simm.s32 @!p0 $0x0  }
0x2b: {  	[sflag:s5] =	ssyncset.done $0x0;
	s13 =	sshll.u32 s12, $0xE  }
0x2c: {  	[sflag:s5] =	ssyncadd.s32 $0xFFFFC000;
	s15 =	sor.u32 $0x40, s13  }
0x2d: {  	s12 =	smul.u32 $0x10200, s12;
	v0 =	vld [tilespmem:s15+$0x30]  }
0x2e: {  	v3 =	vld [tilespmem:s15+$0xFFFFFFD0]  }
0x2f: {  	s12 =	sshrl.u32 s12, $0x2;
	v4 =	vld [tilespmem:s15+$0xFFFFFFE0]  }
0x30: {  	v5 =	vld [tilespmem:s15+$0xFFFFFFF0];
	s13 =	sor.u32 $0x8000, s12  }
0x31: {  	s31 =	sand.u32 $0x1, s10;
	v1 =	vld [tilespmem:s15+$0x0];
	s14 =	sadd.s32 $0x0, s13  }
0x32: {  	v2 =	vld [tilespmem:s15+$0x10];
	s12 =	smul.u32 $0x10200, s31;
	[tilespmem:s14+$0x3870 ss:$0x81] =	vst.msk $0xffff, v0  }
0x33: {  	[tilespmem:s14+$0x810 ss:$0x81] =	vst.msk $0xffff, v3;
	v3 =	vld [tilespmem:s15+$0x20]  }
0x34: {  	s12 =	sshrl.u32 s12, $0x2;
	v0 =	vld [tilespmem:s15+$0xFFFFFFC0];
	[tilespmem:s14+$0x1020 ss:$0x81] =	vst.msk $0xffff, v4;
	s15 =	sadd.s32 $0x80, s15  }
0x35: {  	s16 =	simm.s32 $0x4;
	s17 =	simm.s32 $0x8;
	s12 =	sor.u32 $0x8000, s12;
	[tilespmem:s14+$0x1830 ss:$0x81] =	vst.msk $0xffff, v5;
	v4 =	vld [tilespmem:s15+$0x30]  }
.LBB1_3:
0x36: {  	p1 =	sne.s32 s17, $0x1FC;
	v5 =	vld [tilespmem:s15+$0xFFFFFFD0];
	[tilespmem:s14+$0x2040 ss:$0x81] =	vst.msk $0xffff, v1  }
0x37: {  	v6 =	vld [tilespmem:s15+$0xFFFFFFE0];
	[tilespmem:s14+$0x2850 ss:$0x81] =	vst.msk $0xffff, v2  }
0x38: {  	s18 =	sshra.s32 s16, $0x2;
	s16 =	smov.u32 s17;
	v7 =	vld [tilespmem:s15+$0xFFFFFFF0];
	[tilespmem:s14+$0x3060 ss:$0x81] =	vst.msk $0xffff, v3  }
.Ltmp3:
0x39: {  	v1 =	vld [tilespmem:s15+$0x0];
	[tilespmem:s14+$0x0 ss:$0x81] =	vst.msk $0xffff, v0;
	s14 =	sadd.s32 s18, s13;
	(pc) =	sbr.rel @p1 .LBB1_3-.Ltmp3, $4  }
0x3a: {  	v2 =	vld [tilespmem:s15+$0x10];
	[tilespmem:s14+$0x3870 ss:$0x81] =	vst.msk $0xffff, v4  }
0x3b: {  	[tilespmem:s14+$0x810 ss:$0x81] =	vst.msk $0xffff, v5;
	v3 =	vld [tilespmem:s15+$0x20]  }
0x3c: {  	v0 =	vld [tilespmem:s15+$0xFFFFFFC0];
	[tilespmem:s14+$0x1020 ss:$0x81] =	vst.msk $0xffff, v6;
	s15 =	sadd.s32 $0x80, s15  }
0x3d: {  	s17 =	sadd.s32 $0x4, s17;
	v4 =	vld [tilespmem:s15+$0x30];
	[tilespmem:s14+$0x1830 ss:$0x81] =	vst.msk $0xffff, v7  }
.Ltmp4:
0x3e: {  	_ = 	snop;
	(pc) =	sbr.rel .LBB1_4-.Ltmp4, $1  }
0x3f: {  	_ =	sdelay $0x3  }
.LBB1_6:
0x40: {  	_ =	sfence.sel $0x180000  }
0x41: {  	s2 =	simm.s32 $0x1;
	[bflag:$0x0] =	sbarrier.arrive $0xFFFF  }
0x42: {  	s31 =	simm.s32 $0x2;
	[sflag:s2] =	ssyncpa.u1 $0x1  }
0x43: {  	[sflag:s31] =	ssyncpa.u1 $0x1  }
0x44: {  	p0 =	sne.s32 s0, $0x0;
	_ =	strace $0x90000047  }
0x45: {  	s0 =	sadd.s32 @!p0 $0x100000, s1;
	[bflag:$0x2] =	sbarrier.arrive $0xFFFF  }
0x46: {  	[sflag:s0] =	ssyncadd.tile.s32 @!p0 $0x1;
	_ =	shalt  }
.Lfunc_end1:
_tile_overlayer_lowered:
.L_overlay_start_2:
0x47: {  	(tag) =	ssettag $0x2  }
0x48: {  	s0 =	rddreg [dreg:$0x0];
	s2 =	stileid.u32  }
0x49: {  	s1 =	rddreg [dreg:$0x1];
	p0 =	sne.s32 s2, $0x0  }
0x4a: {  	s3 =	rddreg [dreg:$0x2];
	[bflag:$0x3] =	sbarrier.arrive $0xFFFF;
	s2 =	simm.s32 @!p0 $0x1C01  }
0x4b: {  	[timem:s3], [sflag:s2] =	dma.local @!p0 [hbm:s0], s1  }
0x4c: {  	s0 =	simm.s32 @!p0 $0x1  }
0x4d: {  	_ =	swait.ge @!p0 [sflag:s0], s1  }
0x4e: {  	s1 =	ssub.s32 @!p0 $0x0, s1;
	[sflag:s0] =	ssyncset.done @!p0 $0x0  }
0x4f: {  	[sflag:s0] =	ssyncadd.s32 @!p0 s1  }
0x50: {  	[bflag:$0x3] =	sbarrier.arrive $0xFFFF  }
0x51: {  	_ =	shalt  }

// kernel: sparse-core-data-format-call.cloned.1.call-start
scs
called_computation.1_lowered:
.L_overlay_start_0:
0x0: {  	s1 =	sld [smem:$0x3FD9]  }
0x1: {  	s2 =	sld [smem:$0x3FFE];
	_ =	sdelay $0x1  }
0x2: {  	s3 =	srdreg.scid  }
0x3: {  	s0 =	sand.u32 $0x1, s3  }
0x4: {  	s17 =	sshll.u32 s0, $0xA;
	s1 =	sadd.s32 s2, s1  }
0x5: {  	s1 =	sadd.s32 s1, s17  }
0x6: {  	[smem:$0x3FC5] =	sst s1  }
0x7: {  	_ = 	snop  }
0x8: {  	(tm) =	ssettm $0x1  }
0x9: {  	s18 =	sld [smem:$0x3FFB];
	_ =	sdelay $0x3  }
0xa: {  	_ =	strace s18  }
0xb: {  	s1 =	sld [smem:$0x3FFC];
	_ =	sdelay $0x3  }
0xc: {  	_ =	strace s1  }
0xd: {  	s1 =	sld [smem:$0x3FFD];
	_ =	sdelay $0x3  }
0xe: {  	_ =	strace s1  }
0xf: {  	_ =	strace $0x8FFFFFFF  }
0x10: {  	s19 =	sld [smem:$0x3FDB];
	_ =	sdelay $0x1  }
0x11: {  	s20 =	simm.s32 $_scs_section_size  }
0x12: {  	s4 =	simm.s32 $_size__tile_overlayer_lowered;
	s5 =	simm.s32 $_tile_overlayer_lowered  }
0x13: {  	s23 =	simm.s32 $0x1BFF;
	s22 =	sshll.u32 s5, $0x1;
	s1 =	sadd.s32 s20, s19  }
0x14: {  	s6 =	simm.s32 $0x0;
	s21 =	sshll.u32 s4, $0x1;
	s4 =	sadd.s32 s22, s1  }
0x15: {  	[timem:s6], [sflag:s23] =	dma.local [hbm:s4], s21  }
0x16: {  	_ =	swait.ge [sflag:s23], s21  }
0x17: {  	s2 =	ssub.s32 $0x0, s21;
	[sflag:s23] =	ssyncset.done $0x0  }
0x18: {  	[sflag:s23] =	ssyncadd.s32 s2;
	_ =	sdelay $0x1  }
0x19: {  	s24 =	simm.s32 $0x1B8B  }
0x1a: {  	_ =	swait.ge [sflag:s24], $0x1  }
0x1b: {  	[sflag:s24] =	ssyncset.done $0x0  }
0x1c: {  	s26 =	simm.s32 $0x1B8E;
	s25 =	sld [smem:$0x3FFE];
	[sflag:s24] =	ssyncadd.s32 $0xFFFFFFFF  }
0x1d: {  	s27 =	simm.s32 $execute0_lowered;
	[smem:$0x3FD2] =	sst s26  }
0x1e: {  	s4 =	sshll.u32 s27, $0x1;
	_ =	strace $0x80000049;
	[dreg:$0x1] =	wrdreg $0xFFFFFFFF  }
0x1f: {  	s28 =	simm.s32 $_size_execute0_lowered;
	s1 =	sadd.s32 s1, s4;
	[dreg:$0x0] =	wrdreg $0x0  }
0x20: {  	s4 =	sshll.u32 s28, $0x1;
	[dreg:$0x2] =	wrdreg s1  }
0x21: {  	[dreg:$0x3] =	wrdreg s4  }
0x22: {  	[dreg:$0x4] =	wrdreg $0xC0  }
0x23: {  	_ =	task [dreg:s6], $0x5FFFF  }
0x24: {  	[dreg:$0x1] =	wrdreg $0xFFFFFFFF  }
0x25: {  	[dreg:$0x0] =	wrdreg $0x60  }
0x26: {  	[dreg:$0x2] =	wrdreg s25  }
0x27: {  	[dreg:$0x3] =	wrdreg $0x9  }
0x28: {  	_ =	task.clear_ibuf [dreg:s6], $0x4FFFF;
	_ =	strace $0x90000049  }
0x29: {  	s29 =	simm.s32 $0x9;
	_ =	strace $0x8000004B  }
0x2a: {  	_ =	swait.ge [sflag:s29], $0x1  }
0x2b: {  	[sflag:s29] =	ssyncadd.s32 $0xFFFFFFFF  }
0x2c: {  	_ =	strace $0x9000004B  }
0x2d: {  	_ =	sfence  }
0x2e: {  	s30 =	sld [smem:$0x0];
	_ =	sdelay $0x2  }
0x2f: {  	s31 =	sshll.u32 s3, $0xD;
	s3 =	sshrl.u32 s3, $0x2  }
0x30: {  	s2 =	sand.u32 $0x4000, s31;
	s1 =	sadd.s32 s3, s30  }
0x31: {  	s0 =	sor.u32 s2, s0;
	s1 =	sshll.u32 s1, $0x11  }
0x32: {  	s0 =	sor.u32 s1, s0  }
0x33: {  	s0 =	sadd.s32 $0x8F2B, s0  }
0x34: {  	[sflag:s0] =	ssyncadd.remote.s32 $0x1  }
0x35: {  	_ =	sfence.sel $0xFFFF  }
0x36: {  	[dreg:$0x0] =	wrdreg $0xFFFFFFFF;
	(pc) =	sbr.abs _section_cstart, $3  }
0x37: {  	[dreg:$0x1] =	wrdreg $0xFFFFFFFF  }
0x38: {  	_ =	task.clear_ibuf [dreg:s6], $0x2FFFF;
	_ =	strace $0x9FFFFFFF  }
0x39: {  	(tm) =	ssettm $0x7FFFFFFF  }
tec
execute0_lowered:
.L_overlay_start_1:
0x0: {  	(tag) =	ssettag $0x1  }
0x1: {  	s0 =	srdreg.scid  }
0x2: {  	s5 =	rddreg [dreg:$0x0];
	s1 =	sshll.u32 s0, $0x4  }
0x3: {  	s4 =	simm.s32 $0x1;
	s0 =	stileid.u32;
	s1 =	sand.u32 $0x10, s1  }
0x4: {  	s8 =	simm.s32 $0x2;
	s12 =	simm.s32 $0x0;
	s2 =	sor.u32 s0, s1  }
0x5: {  	s11 =	simm.s32 $0x0;
	s9 =	simm.s32 $0x0;
	s2 =	sshll.u32 s2, $0x7  }
0x6: {  	s10 =	simm.s32 $0x0;
	s3 =	sadd.s32 $0x200400, s5;
	s6 =	ssub.s32 $0x20000, s2  }
.Ltmp0:
0x7: {  	s1 =	rddreg [dreg:$0x1];
	s7 =	sand.u32 $0xF80, s6;
	(pc) =	sbr.rel .LBB1_1-.Ltmp0, $4  }
0x8: {  	_ =	strace $0x8000004A;
	p0 =	sne.s32 s7, $0x0;
	s7 =	simm.s32 $0x1  }
0x9: {  	[sflag:s4] =	ssyncpa.u1 $0x0;
	s6 =	sshrl.u32 s6, $0xC;
	s7 =	simm.s32 @!p0 $0x0  }
0xa: {  	s5 =	sadd.s32 $0x400400, s5;
	[sflag:s8] =	ssyncpa.u1 $0x0;
	s6 =	sadd.s32 s7, s6  }
0xb: {  	s8 =	smov.u32 s2;
	p0 =	por $0x0, $0x0;
	s7 =	sadd.s32 $0x1, s6  }
.LBB1_4:
0xc: {  	v5 =	vld [tilespmem:s16+$0xFFFFFFD0];
	[tilespmem:s15+$0x2040 ss:$0x81] =	vst.msk $0xffff, v1  }
0xd: {  	v58 =	vld [tilespmem:s16+$0xFFFFFFE0];
	[tilespmem:s15+$0x2850 ss:$0x81] =	vst.msk $0xffff, v2  }
0xe: {  	s17 =	sshra.s32 s17, $0x2;
	v59 =	vld [tilespmem:s16+$0xFFFFFFF0];
	[tilespmem:s15+$0x3060 ss:$0x81] =	vst.msk $0xffff, v3  }
0xf: {  	v60 =	vld [tilespmem:s16+$0x0];
	[tilespmem:s15+$0x0 ss:$0x81] =	vst.msk $0xffff, v0;
	s14 =	sadd.s32 s17, s14  }
0x10: {  	v61 =	vld [tilespmem:s16+$0x10];
	[tilespmem:s14+$0x3870 ss:$0x81] =	vst.msk $0xffff, v4  }
0x11: {  	v62 =	vld [tilespmem:s16+$0x20];
	s12 =	sshll.u32 s12, $0x7;
	s28 =	sshll.u32 s11, $0x3;
	[tilespmem:s14+$0x810 ss:$0x81] =	vst.msk $0xffff, v5  }
0x12: {  	v63 =	vld [tilespmem:s16+$0xFFFFFFC0];
	s29 =	sand.u32 $0xFFFC00, s12;
	s15 =	sand.u32 $0xFFFC00, s28;
	[tilespmem:s14+$0x1020 ss:$0x81] =	vst.msk $0xffff, v58  }
0x13: {  	s12 =	sand.u32 $0x380, s12;
	s15 =	sadd.s32 s15, s29;
	[tilespmem:s14+$0x1830 ss:$0x81] =	vst.msk $0xffff, v59  }
0x14: {  	s30 =	sshrl.u32 s11, $0x3;
	s12 =	sor.u32 s12, s15;
	[tilespmem:s14+$0x2040 ss:$0x81] =	vst.msk $0xffff, v60  }
0x15: {  	s15 =	sand.u32 $0xF, s30;
	s12 =	sshrl.u32 s12, $0x3;
	[tilespmem:s14+$0x2850 ss:$0x81] =	vst.msk $0xffff, v61  }
0x16: {  	s15 =	sadd.s32 s5, s15;
	[tilespmem:s14+$0x3060 ss:$0x81] =	vst.msk $0xffff, v62;
	s12 =	sand.u32 $0x1FFFF0, s12  }
0x17: {  	s31 =	sand.u32 $0x7, s11;
	[tilespmem:s14+$0x0 ss:$0x81] =	vst.msk $0xffff, v63;
	s12 =	sadd.s32 s12, s15  }
0x18: {  	[hbm4b:s12+s31] =	stream.linear.scatter [tilespmem:s13], [sflag:$0x2], $0x4000, $0x20;
	[tilespmem:$0x10100] =	vst v63  }
.LBB1_5:
0x19: {  	s13 =	sadd.s32 $0x1000, s8  }
0x1a: {  	s11 =	sadd.s32 $0x80, s9;
	s15 =	smov.u32 s9;
	p2 =	sgt.s32 s13, $0x1FFFF  }
0x1b: {  	s15 =	smov.u32 @p2 s11  }
0x1c: {  	s13 =	smov.u32 @p2 s2;
	p2 =	sgt.s32 s15, $0x7F  }
0x1d: {  	s15 =	simm.s32 @p2 $0x0;
	p2 =	sne.s32 s10, s7  }
.Ltmp1:
0x1e: {  	p1 =	slt.u32 s10, $0x2;
	(pc) =	sbr.rel @!p2 .LBB1_6-.Ltmp1, $4  }
0x1f: {  	s14 =	simm.s32 @!p1 $0x2  }
0x20: {  	s12 =	smov.u32 s8;
	p0 =	por !p0, !p0;
	_ =	swait.ge @!p1 [sflag:s14], $0x4000  }
0x21: {  	s11 =	smov.u32 s9;
	[sflag:s14] =	ssyncset.done @!p1 $0x0;
	s8 =	smov.u32 s13  }
0x22: {  	s10 =	sadd.s32 $0x1, s10;
	[sflag:s14] =	ssyncadd.s32 @!p1 $0xFFFFC000;
	s9 =	smov.u32 s15  }
.LBB1_1:
0x23: {  	p1 =	sge.u32 s10, s6;
	s31 =	sadd.s32 $0xFFFFFFFF, s10  }
0x24: {  	s13 =	sand.u32 @!p1 $0x78, s8;
	s14 =	sshll.u32 @!p1 s9, $0x11;
	s15 =	sshll.u32 @!p1 s9, $0x7  }
0x25: {  	s16 =	sshll.u32 @!p1 s8, $0x3;
	s14 =	sand.u32 @!p1 $0xF00000, s14;
	s15 =	sand.u32 @!p1 $0x380, s15  }
0x26: {  	s14 =	sadd.s32 @!p1 s14, s16;
	s16 =	sand.u32 @!p1 $0x1FC00, s16;
	s13 =	sor.u32 @!p1 s15, s13  }
0x27: {  	s15 =	sxor.u32 @!p1 $0xFFFFFFFF, s10;
	s14 =	sand.u32 @!p1 $0xFE0000, s14;
	s13 =	sor.u32 @!p1 s16, s13  }
0x28: {  	s15 =	sshll.u32 @!p1 s15, $0xE;
	s13 =	sor.u32 @!p1 s14, s13;
	s14 =	sand.u32 @!p1 $0x7, s8  }
0x29: {  	s16 =	simm.s32 @!p1 $0x100000;
	s13 =	sshrl.u32 @!p1 s13, $0x3;
	s14 =	sshll.u32 @!p1 s14, $0x12  }
0x2a: {  	s15 =	sand.u32 @!p1 $0x4000, s15;
	s13 =	sadd.s32 @!p1 s3, s13;
	s14 =	sor.u32 @!p1 $0x400, s14  }
0x2b: {  	[tilespmem:s15], [sflag:$0x1] =	stream.strided.gather @!p1 [hbm4b:s13+s14], $0x4000, s16, s14, $0x38;
	[tilespmem:$0x10100] =	vst v63  }
0x2c: {  	p1 =	sge.u32 s31, s6  }
.Ltmp2:
0x2d: {  	_ = 	snop;
	(pc) =	sbr.rel @p1 .LBB1_5-.Ltmp2, $1  }
0x2e: {  	_ =	sdelay $0x3  }
0x2f: {  	s13 =	simm.s32 $0x1  }
0x30: {  	_ =	swait.ge [sflag:s4], $0x4000;
	s13 =	simm.s32 @!p0 $0x0  }
0x31: {  	[sflag:s4] =	ssyncset.done $0x0;
	s14 =	sshll.u32 s13, $0xE  }
0x32: {  	[sflag:s4] =	ssyncadd.s32 $0xFFFFC000;
	s16 =	sor.u32 $0x40, s14  }
0x33: {  	s13 =	smul.u32 $0x10200, s13;
	v0 =	vld [tilespmem:s16+$0x30]  }
0x34: {  	v3 =	vld [tilespmem:s16+$0xFFFFFFD0]  }
0x35: {  	s13 =	sshrl.u32 s13, $0x2;
	v4 =	vld [tilespmem:s16+$0xFFFFFFE0]  }
0x36: {  	v5 =	vld [tilespmem:s16+$0xFFFFFFF0];
	s14 =	sor.u32 $0x8000, s13  }
0x37: {  	s31 =	sand.u32 $0x1, s10;
	v1 =	vld [tilespmem:s16+$0x0];
	s15 =	sadd.s32 $0x0, s14  }
0x38: {  	v2 =	vld [tilespmem:s16+$0x10];
	s13 =	smul.u32 $0x10200, s31;
	[tilespmem:s15+$0x3870 ss:$0x81] =	vst.msk $0xffff, v0  }
0x39: {  	[tilespmem:s15+$0x810 ss:$0x81] =	vst.msk $0xffff, v3;
	v3 =	vld [tilespmem:s16+$0x20]  }
0x3a: {  	s13 =	sshrl.u32 s13, $0x2;
	v0 =	vld [tilespmem:s16+$0xFFFFFFC0];
	[tilespmem:s15+$0x1020 ss:$0x81] =	vst.msk $0xffff, v4;
	s16 =	sadd.s32 $0x80, s16  }
0x3b: {  	s17 =	simm.s32 $0x4;
	s18 =	simm.s32 $0x8;
	s13 =	sor.u32 $0x8000, s13;
	[tilespmem:s15+$0x1830 ss:$0x81] =	vst.msk $0xffff, v5;
	v4 =	vld [tilespmem:s16+$0x30]  }
.LBB1_3:
0x3c: {  	p1 =	sne.s32 s18, $0x1FC;
	v5 =	vld [tilespmem:s16+$0xFFFFFFD0];
	[tilespmem:s15+$0x2040 ss:$0x81] =	vst.msk $0xffff, v1  }
0x3d: {  	v6 =	vld [tilespmem:s16+$0xFFFFFFE0];
	[tilespmem:s15+$0x2850 ss:$0x81] =	vst.msk $0xffff, v2  }
0x3e: {  	s19 =	sshra.s32 s17, $0x2;
	s17 =	smov.u32 s18;
	v7 =	vld [tilespmem:s16+$0xFFFFFFF0];
	[tilespmem:s15+$0x3060 ss:$0x81] =	vst.msk $0xffff, v3  }
.Ltmp3:
0x3f: {  	v1 =	vld [tilespmem:s16+$0x0];
	[tilespmem:s15+$0x0 ss:$0x81] =	vst.msk $0xffff, v0;
	s15 =	sadd.s32 s19, s14;
	(pc) =	sbr.rel @p1 .LBB1_3-.Ltmp3, $4  }
0x40: {  	v2 =	vld [tilespmem:s16+$0x10];
	[tilespmem:s15+$0x3870 ss:$0x81] =	vst.msk $0xffff, v4  }
0x41: {  	[tilespmem:s15+$0x810 ss:$0x81] =	vst.msk $0xffff, v5;
	v3 =	vld [tilespmem:s16+$0x20]  }
0x42: {  	v0 =	vld [tilespmem:s16+$0xFFFFFFC0];
	[tilespmem:s15+$0x1020 ss:$0x81] =	vst.msk $0xffff, v6;
	s16 =	sadd.s32 $0x80, s16  }
0x43: {  	s18 =	sadd.s32 $0x4, s18;
	v4 =	vld [tilespmem:s16+$0x30];
	[tilespmem:s15+$0x1830 ss:$0x81] =	vst.msk $0xffff, v7  }
.Ltmp4:
0x44: {  	_ = 	snop;
	(pc) =	sbr.rel .LBB1_4-.Ltmp4, $1  }
0x45: {  	_ =	sdelay $0x3  }
.LBB1_6:
0x46: {  	_ =	sfence.sel $0x180000  }
0x47: {  	s2 =	simm.s32 $0x1;
	[bflag:$0x0] =	sbarrier.arrive $0xFFFF  }
0x48: {  	s31 =	simm.s32 $0x2;
	[sflag:s2] =	ssyncpa.u1 $0x1  }
0x49: {  	[sflag:s31] =	ssyncpa.u1 $0x1  }
0x4a: {  	p0 =	sne.s32 s0, $0x0;
	_ =	strace $0x9000004A  }
0x4b: {  	s0 =	sadd.s32 @!p0 $0x100000, s1;
	[bflag:$0x2] =	sbarrier.arrive $0xFFFF  }
0x4c: {  	[sflag:s0] =	ssyncadd.tile.s32 @!p0 $0x1;
	_ =	shalt  }
.Lfunc_end1:
_tile_overlayer_lowered:
.L_overlay_start_2:
0x4d: {  	(tag) =	ssettag $0x2  }
0x4e: {  	s0 =	rddreg [dreg:$0x0];
	s2 =	stileid.u32  }
0x4f: {  	s1 =	rddreg [dreg:$0x1];
	p0 =	sne.s32 s2, $0x0  }
0x50: {  	s3 =	rddreg [dreg:$0x2];
	[bflag:$0x3] =	sbarrier.arrive $0xFFFF;
	s2 =	simm.s32 @!p0 $0x1C01  }
0x51: {  	[timem:s3], [sflag:s2] =	dma.local @!p0 [hbm:s0], s1  }
0x52: {  	s0 =	simm.s32 @!p0 $0x1  }
0x53: {  	_ =	swait.ge @!p0 [sflag:s0], s1  }
0x54: {  	s1 =	ssub.s32 @!p0 $0x0, s1;
	[sflag:s0] =	ssyncset.done @!p0 $0x0  }
0x55: {  	[sflag:s0] =	ssyncadd.s32 @!p0 s1  }
0x56: {  	[bflag:$0x3] =	sbarrier.arrive $0xFFFF  }
0x57: {  	_ =	shalt  }

</sc_bundles>
